<compile_context>
chip_gen: v7x
topology: tpu7x:2x2x1
jax: 0.10.2.dev20260603
libtpu: 0.0.44.dev20260713+nightly
codegen_flags: <defaults>
</compile_context>

<pallas_src>
import functools

import jax
import jax.numpy as jnp
from jax import lax
from jax.experimental import pallas as pl
from jax.experimental.pallas import tpu as pltpu
from jax.experimental.pallas import tpu_sc as plsc

EMBED = 256
VOCAB = 96
CDIM = 50
WLEN = 21
KW = 5
OUT_LEN = WLEN - KW + 1
DPAD = 128
BLK = 512

NC, NS = 2, 16
NW = NC * NS


def _sc_gather(n_rows):
    per_w = n_rows // NW
    n_chunk = 8
    chunk = per_w // n_chunk
    mesh = plsc.VectorSubcoreMesh(core_axis_name="c", subcore_axis_name="s")

    @functools.partial(
        pl.kernel, mesh=mesh,
        out_type=jax.ShapeDtypeStruct((n_rows, DPAD), jnp.float32),
        scratch_types=[
            pltpu.VMEM((chunk,), jnp.int32),
            pltpu.VMEM((chunk, DPAD), jnp.float32),
            pltpu.SemaphoreType.DMA,
        ],
    )
    def gather_kernel(table_hbm, idx_hbm, out_hbm, idx_v, rows_v, sem):
        wid = lax.axis_index("s") * NC + lax.axis_index("c")
        base = wid * per_w
        for c in range(n_chunk):
            off = base + c * chunk
            pltpu.sync_copy(idx_hbm.at[pl.ds(off, chunk)], idx_v)
            pltpu.async_copy(table_hbm.at[idx_v], rows_v, sem).wait()
            pltpu.sync_copy(rows_v, out_hbm.at[pl.ds(off, chunk)])

    return gather_kernel


def _dense_body(e_ref, w_ref, cb_ref, wp_ref, bp_ref, wg_ref, bg_ref, out_ref):
    e = e_ref[...].astype(jnp.bfloat16)
    conv = jax.lax.dot_general(
        e[0:OUT_LEN].reshape(OUT_LEN * BLK, DPAD), w_ref[0],
        (((1,), (0,)), ((), ())), preferred_element_type=jnp.float32)
    for k in range(1, KW):
        conv += jax.lax.dot_general(
            e[k:k + OUT_LEN].reshape(OUT_LEN * BLK, DPAD), w_ref[k],
            (((1,), (0,)), ((), ())), preferred_element_type=jnp.float32)
    h = jax.nn.relu(
        jnp.max(conv.reshape(OUT_LEN, BLK, EMBED), axis=0) + cb_ref[...])
    proj = jax.nn.relu(
        jax.lax.dot_general(h, wp_ref[...], (((1,), (0,)), ((), ())),
                            preferred_element_type=jnp.float32) + bp_ref[...])
    gate = jax.nn.sigmoid(
        jax.lax.dot_general(h, wg_ref[...], (((1,), (0,)), ((), ())),
                            preferred_element_type=jnp.float32) + bg_ref[...])
    out_ref[...] = gate * proj + (1.0 - gate) * h


def kernel(input_ids, char_emb, conv_w, conv_b, W_proj, b_proj, W_gate, b_gate):
    sent_len, batch, wlen = input_ids.shape
    n = sent_len * batch
    ids_t = input_ids.reshape(n, wlen).astype(jnp.int32).T
    n_rows = wlen * n

    table = jnp.pad(char_emb, ((0, 0), (0, DPAD - CDIM)))

    e = _sc_gather(n_rows)(table, ids_t.reshape(n_rows)).reshape(wlen, n, DPAD)

    w = jnp.transpose(conv_w, (2, 1, 0))
    w = jnp.pad(w, ((0, 0), (0, DPAD - CDIM), (0, 0))).astype(jnp.bfloat16)

    grid = (n // BLK,)
    out = pl.pallas_call(
        _dense_body,
        grid=grid,
        in_specs=[
            pl.BlockSpec((wlen, BLK, DPAD), lambda i: (0, i, 0)),
            pl.BlockSpec((KW, DPAD, EMBED), lambda i: (0, 0, 0)),
            pl.BlockSpec((1, EMBED), lambda i: (0, 0)),
            pl.BlockSpec((EMBED, EMBED), lambda i: (0, 0)),
            pl.BlockSpec((1, EMBED), lambda i: (0, 0)),
            pl.BlockSpec((EMBED, EMBED), lambda i: (0, 0)),
            pl.BlockSpec((1, EMBED), lambda i: (0, 0)),
        ],
        out_specs=pl.BlockSpec((BLK, EMBED), lambda i: (i, 0)),
        out_shape=jax.ShapeDtypeStruct((n, EMBED), jnp.float32),
    )(e, w, conv_b.reshape(1, EMBED), W_proj.T, b_proj.reshape(1, EMBED),
      W_gate.T, b_gate.reshape(1, EMBED))

    return out.reshape(sent_len, batch, EMBED)

# --- scband reference (transcript-rebuilt; emitter-appended) ---
"""Pipeline reference for scband-model-embeddings-70265664963220 (READ-ONLY COPY).

The authoritative reference and input builder live on the scoring server;
editing this copy changes nothing except your own understanding.
"""

import jax, jax.numpy as jnp
import numpy as np

EMBED_SIZE = 256
CHAR_VOCAB = 96
CHAR_DIM = 50
MAX_WORD_LEN = 21
KERNEL = 5
SENT_LEN = 2048
BATCH = 4


def setup_inputs(seed: int = 0) -> dict:
    key = jax.random.key(seed)
    ks = jax.random.split(key, 8)
    input_ids = jax.random.randint(ks[0], (SENT_LEN, BATCH, MAX_WORD_LEN), 0, CHAR_VOCAB, dtype=jnp.int64 if jax.config.jax_enable_x64 else jnp.int32)
    char_emb = jax.random.normal(ks[1], (CHAR_VOCAB, CHAR_DIM), dtype=jnp.float32) * 0.1
    char_emb = char_emb.at[0].set(0.0)  # padding_idx=0 row zeroed
    conv_w = jax.random.normal(ks[2], (EMBED_SIZE, CHAR_DIM, KERNEL), dtype=jnp.float32) * (1.0 / np.sqrt(CHAR_DIM * KERNEL))
    conv_b = jax.random.normal(ks[3], (EMBED_SIZE,), dtype=jnp.float32) * 0.01
    W_proj = jax.random.normal(ks[4], (EMBED_SIZE, EMBED_SIZE), dtype=jnp.float32) * (1.0 / np.sqrt(EMBED_SIZE))
    b_proj = jnp.zeros((EMBED_SIZE,), dtype=jnp.float32)
    W_gate = jax.random.normal(ks[5], (EMBED_SIZE, EMBED_SIZE), dtype=jnp.float32) * (1.0 / np.sqrt(EMBED_SIZE))
    b_gate = jnp.zeros((EMBED_SIZE,), dtype=jnp.float32)
    return {
        "input_ids": input_ids,
        "char_emb": char_emb,
        "conv_w": conv_w,
        "conv_b": conv_b,
        "W_proj": W_proj,
        "b_proj": b_proj,
        "W_gate": W_gate,
        "b_gate": b_gate,
    }


def reference(input_ids, char_emb, conv_w, conv_b, W_proj, b_proj, W_gate, b_gate):
    sent_len, batch_size, max_word_len = input_ids.shape
    flat = input_ids.reshape(sent_len * batch_size, max_word_len)
    # char embedding lookup (gather)
    emb = jnp.take(char_emb, flat, axis=0)  # [N, L, char_dim]
    # permute(0, 2, 1) -> [N, char_dim, L]
    x = jnp.transpose(emb, (0, 2, 1))
    # Conv1d(in=char_dim, out=embed_size, kernel=5), valid padding
    conv = jax.lax.conv_general_dilated(
        x, conv_w.astype(x.dtype), window_strides=(1,), padding="VALID",
        dimension_numbers=("NCH", "OIH", "NCH"))
    conv = conv + conv_b[None, :, None]
    # relu then max-pool over word length -> [N, embed_size]
    h = jnp.max(jax.nn.relu(conv), axis=-1)
    # Highway network
    proj = jax.nn.relu(h @ W_proj.T + b_proj)
    gate = jax.nn.sigmoid(h @ W_gate.T + b_gate)
    out = gate * proj + (1.0 - gate) * h
    # dropout is identity at inference
    return out.reshape(sent_len, batch_size, EMBED_SIZE)

if __name__ == "__main__":
    import jax
    _d = setup_inputs()
    print(jax.jit(kernel)(*tuple(_d.values())))

</pallas_src>

<mosaic_0001>
#map = affine_map<(d0, d1) -> (0, 0)>
#map1 = affine_map<(d0, d1) -> (0)>
module attributes {stable_mosaic.version = 14 : i64} {
  func.func @gather_kernel(%arg0: i32, %arg1: i32, %arg2: memref<96x128xf32, #tpu.memory_space<hbm>>, %arg3: memref<172032xi32, #tpu.memory_space<hbm>>, %arg4: memref<172032x128xf32, #tpu.memory_space<hbm>>, %arg5: memref<672xi32, #tpu.memory_space<vmem>>, %arg6: memref<672x128xf32, #tpu.memory_space<vmem>>, %arg7: memref<!tpu.dma_semaphore, #tpu.memory_space<semaphore_mem>>) attributes {dimension_semantics = [#tpu.dimension_semantics<core_parallel>, #tpu.dimension_semantics<subcore_parallel>], iteration_bounds = array<i64: 2, 16>, scalar_prefetch = 0 : i64, scratch_operands = 3 : i64, tpu.core_type = #tpu.core_type<sc_vector_subcore>, window_params = [{transform_indices = #map}, {transform_indices = #map1}, {transform_indices = #map}]} {
    %mul3A = arith.constant 2 : i32
    %mul3A_0 = arith.muli %arg1, %mul3A : i32
    %add3A = arith.addi %mul3A_0, %arg0 : i32
    %mul3A_1 = arith.constant 5376 : i32
    %mul3A_2 = arith.muli %add3A, %mul3A_1 : i32
    %add3A_3 = arith.constant 0 : i32
    %add3A_4 = arith.addi %mul3A_2, %add3A_3 : i32
    "tpu.region"() ({
      %run_scoped3A = tpu.sem_alloc : memref<!tpu.dma_semaphore, #tpu.memory_space<semaphore_mem>>
      %dma_start3A_65 = tpu.memref_slice %arg3[%add3A_4] : memref<172032xi32, #tpu.memory_space<hbm>> -> memref<672xi32, #tpu.memory_space<hbm>>
      %dma_start3A_66 = tpu.memref_slice %arg3[%add3A_4] : memref<172032xi32, #tpu.memory_space<hbm>> -> memref<672xi32, #tpu.memory_space<hbm>>
      tpu.enqueue_dma source(%dma_start3A_66 : memref<672xi32, #tpu.memory_space<hbm>>) target(%arg5 : memref<672xi32, #tpu.memory_space<vmem>>) target_semaphore(%run_scoped3A : memref<!tpu.dma_semaphore, #tpu.memory_space<semaphore_mem>>)
      %dma_wait3A_67 = tpu.memref_slice %arg3[%add3A_4] : memref<172032xi32, #tpu.memory_space<hbm>> -> memref<672xi32, #tpu.memory_space<hbm>>
      %dma_wait3A_68 = tpu.memref_slice %arg3[%add3A_4] : memref<172032xi32, #tpu.memory_space<hbm>> -> memref<672xi32, #tpu.memory_space<hbm>>
      tpu.wait_dma2 semaphore(%run_scoped3A : memref<!tpu.dma_semaphore, #tpu.memory_space<semaphore_mem>>) src(%dma_wait3A_68 : memref<672xi32, #tpu.memory_space<hbm>>) dst(%arg5 : memref<672xi32, #tpu.memory_space<vmem>>)
      tpu.yield
    }) : () -> ()
    %dma_start3A = arith.constant 0 : i32
    %dma_start3A_5 = arith.constant 0 : i32
    %dma_start3A_6 = tpu.memref_slice %arg2[%dma_start3A, %dma_start3A_5] : memref<96x128xf32, #tpu.memory_space<hbm>> -> memref<96x128xf32, #tpu.memory_space<hbm>>
    tpu.enqueue_indirect_dma source(%dma_start3A_6 : memref<96x128xf32, #tpu.memory_space<hbm>>) target(%arg6 : memref<672x128xf32, #tpu.memory_space<vmem>>) offsets(%arg5 : memref<672xi32, #tpu.memory_space<vmem>>) semaphore(%arg7 : memref<!tpu.dma_semaphore, #tpu.memory_space<semaphore_mem>>)
    %dma_wait3A = arith.constant 0 : i32
    %dma_wait3A_7 = arith.constant 0 : i32
    %dma_wait3A_8 = tpu.memref_slice %arg2[%dma_wait3A, %dma_wait3A_7] : memref<96x128xf32, #tpu.memory_space<hbm>> -> memref<96x128xf32, #tpu.memory_space<hbm>>
    tpu.wait_indirect_dma semaphore(%arg7 : memref<!tpu.dma_semaphore, #tpu.memory_space<semaphore_mem>>) src(%dma_wait3A_8 : memref<96x128xf32, #tpu.memory_space<hbm>>) dst(%arg6 : memref<672x128xf32, #tpu.memory_space<vmem>>)
    "tpu.region"() ({
      %run_scoped3A = tpu.sem_alloc : memref<!tpu.dma_semaphore, #tpu.memory_space<semaphore_mem>>
      %dma_start3A_65 = arith.constant 0 : i32
      %dma_start3A_66 = tpu.memref_slice %arg4[%add3A_4, %dma_start3A_65] : memref<172032x128xf32, #tpu.memory_space<hbm>> -> memref<672x128xf32, #tpu.memory_space<hbm>>
      %dma_start3A_67 = arith.constant 0 : i32
      %dma_start3A_68 = tpu.memref_slice %arg4[%add3A_4, %dma_start3A_67] : memref<172032x128xf32, #tpu.memory_space<hbm>> -> memref<672x128xf32, #tpu.memory_space<hbm>>
      tpu.enqueue_dma source(%arg6 : memref<672x128xf32, #tpu.memory_space<vmem>>) target(%dma_start3A_68 : memref<672x128xf32, #tpu.memory_space<hbm>>) target_semaphore(%run_scoped3A : memref<!tpu.dma_semaphore, #tpu.memory_space<semaphore_mem>>)
      %dma_wait3A_69 = arith.constant 0 : i32
      %dma_wait3A_70 = tpu.memref_slice %arg4[%add3A_4, %dma_wait3A_69] : memref<172032x128xf32, #tpu.memory_space<hbm>> -> memref<672x128xf32, #tpu.memory_space<hbm>>
      %dma_wait3A_71 = arith.constant 0 : i32
      %dma_wait3A_72 = tpu.memref_slice %arg4[%add3A_4, %dma_wait3A_71] : memref<172032x128xf32, #tpu.memory_space<hbm>> -> memref<672x128xf32, #tpu.memory_space<hbm>>
      tpu.wait_dma2 semaphore(%run_scoped3A : memref<!tpu.dma_semaphore, #tpu.memory_space<semaphore_mem>>) src(%arg6 : memref<672x128xf32, #tpu.memory_space<vmem>>) dst(%dma_wait3A_72 : memref<672x128xf32, #tpu.memory_space<hbm>>)
      tpu.yield
    }) : () -> ()
    %add3A_9 = arith.constant 672 : i32
    %add3A_10 = arith.addi %mul3A_2, %add3A_9 : i32
    "tpu.region"() ({
      %run_scoped3A = tpu.sem_alloc : memref<!tpu.dma_semaphore, #tpu.memory_space<semaphore_mem>>
      %dma_start3A_65 = tpu.memref_slice %arg3[%add3A_10] : memref<172032xi32, #tpu.memory_space<hbm>> -> memref<672xi32, #tpu.memory_space<hbm>>
      %dma_start3A_66 = tpu.memref_slice %arg3[%add3A_10] : memref<172032xi32, #tpu.memory_space<hbm>> -> memref<672xi32, #tpu.memory_space<hbm>>
      tpu.enqueue_dma source(%dma_start3A_66 : memref<672xi32, #tpu.memory_space<hbm>>) target(%arg5 : memref<672xi32, #tpu.memory_space<vmem>>) target_semaphore(%run_scoped3A : memref<!tpu.dma_semaphore, #tpu.memory_space<semaphore_mem>>)
      %dma_wait3A_67 = tpu.memref_slice %arg3[%add3A_10] : memref<172032xi32, #tpu.memory_space<hbm>> -> memref<672xi32, #tpu.memory_space<hbm>>
      %dma_wait3A_68 = tpu.memref_slice %arg3[%add3A_10] : memref<172032xi32, #tpu.memory_space<hbm>> -> memref<672xi32, #tpu.memory_space<hbm>>
      tpu.wait_dma2 semaphore(%run_scoped3A : memref<!tpu.dma_semaphore, #tpu.memory_space<semaphore_mem>>) src(%dma_wait3A_68 : memref<672xi32, #tpu.memory_space<hbm>>) dst(%arg5 : memref<672xi32, #tpu.memory_space<vmem>>)
      tpu.yield
    }) : () -> ()
    %dma_start3A_11 = arith.constant 0 : i32
    %dma_start3A_12 = arith.constant 0 : i32
    %dma_start3A_13 = tpu.memref_slice %arg2[%dma_start3A_11, %dma_start3A_12] : memref<96x128xf32, #tpu.memory_space<hbm>> -> memref<96x128xf32, #tpu.memory_space<hbm>>
    tpu.enqueue_indirect_dma source(%dma_start3A_13 : memref<96x128xf32, #tpu.memory_space<hbm>>) target(%arg6 : memref<672x128xf32, #tpu.memory_space<vmem>>) offsets(%arg5 : memref<672xi32, #tpu.memory_space<vmem>>) semaphore(%arg7 : memref<!tpu.dma_semaphore, #tpu.memory_space<semaphore_mem>>)
    %dma_wait3A_14 = arith.constant 0 : i32
    %dma_wait3A_15 = arith.constant 0 : i32
    %dma_wait3A_16 = tpu.memref_slice %arg2[%dma_wait3A_14, %dma_wait3A_15] : memref<96x128xf32, #tpu.memory_space<hbm>> -> memref<96x128xf32, #tpu.memory_space<hbm>>
    tpu.wait_indirect_dma semaphore(%arg7 : memref<!tpu.dma_semaphore, #tpu.memory_space<semaphore_mem>>) src(%dma_wait3A_16 : memref<96x128xf32, #tpu.memory_space<hbm>>) dst(%arg6 : memref<672x128xf32, #tpu.memory_space<vmem>>)
    "tpu.region"() ({
      %run_scoped3A = tpu.sem_alloc : memref<!tpu.dma_semaphore, #tpu.memory_space<semaphore_mem>>
      %dma_start3A_65 = arith.constant 0 : i32
      %dma_start3A_66 = tpu.memref_slice %arg4[%add3A_10, %dma_start3A_65] : memref<172032x128xf32, #tpu.memory_space<hbm>> -> memref<672x128xf32, #tpu.memory_space<hbm>>
      %dma_start3A_67 = arith.constant 0 : i32
      %dma_start3A_68 = tpu.memref_slice %arg4[%add3A_10, %dma_start3A_67] : memref<172032x128xf32, #tpu.memory_space<hbm>> -> memref<672x128xf32, #tpu.memory_space<hbm>>
      tpu.enqueue_dma source(%arg6 : memref<672x128xf32, #tpu.memory_space<vmem>>) target(%dma_start3A_68 : memref<672x128xf32, #tpu.memory_space<hbm>>) target_semaphore(%run_scoped3A : memref<!tpu.dma_semaphore, #tpu.memory_space<semaphore_mem>>)
      %dma_wait3A_69 = arith.constant 0 : i32
      %dma_wait3A_70 = tpu.memref_slice %arg4[%add3A_10, %dma_wait3A_69] : memref<172032x128xf32, #tpu.memory_space<hbm>> -> memref<672x128xf32, #tpu.memory_space<hbm>>
      %dma_wait3A_71 = arith.constant 0 : i32
      %dma_wait3A_72 = tpu.memref_slice %arg4[%add3A_10, %dma_wait3A_71] : memref<172032x128xf32, #tpu.memory_space<hbm>> -> memref<672x128xf32, #tpu.memory_space<hbm>>
      tpu.wait_dma2 semaphore(%run_scoped3A : memref<!tpu.dma_semaphore, #tpu.memory_space<semaphore_mem>>) src(%arg6 : memref<672x128xf32, #tpu.memory_space<vmem>>) dst(%dma_wait3A_72 : memref<672x128xf32, #tpu.memory_space<hbm>>)
      tpu.yield
    }) : () -> ()
    %add3A_17 = arith.constant 1344 : i32
    %add3A_18 = arith.addi %mul3A_2, %add3A_17 : i32
    "tpu.region"() ({
      %run_scoped3A = tpu.sem_alloc : memref<!tpu.dma_semaphore, #tpu.memory_space<semaphore_mem>>
      %dma_start3A_65 = tpu.memref_slice %arg3[%add3A_18] : memref<172032xi32, #tpu.memory_space<hbm>> -> memref<672xi32, #tpu.memory_space<hbm>>
      %dma_start3A_66 = tpu.memref_slice %arg3[%add3A_18] : memref<172032xi32, #tpu.memory_space<hbm>> -> memref<672xi32, #tpu.memory_space<hbm>>
      tpu.enqueue_dma source(%dma_start3A_66 : memref<672xi32, #tpu.memory_space<hbm>>) target(%arg5 : memref<672xi32, #tpu.memory_space<vmem>>) target_semaphore(%run_scoped3A : memref<!tpu.dma_semaphore, #tpu.memory_space<semaphore_mem>>)
      %dma_wait3A_67 = tpu.memref_slice %arg3[%add3A_18] : memref<172032xi32, #tpu.memory_space<hbm>> -> memref<672xi32, #tpu.memory_space<hbm>>
      %dma_wait3A_68 = tpu.memref_slice %arg3[%add3A_18] : memref<172032xi32, #tpu.memory_space<hbm>> -> memref<672xi32, #tpu.memory_space<hbm>>
      tpu.wait_dma2 semaphore(%run_scoped3A : memref<!tpu.dma_semaphore, #tpu.memory_space<semaphore_mem>>) src(%dma_wait3A_68 : memref<672xi32, #tpu.memory_space<hbm>>) dst(%arg5 : memref<672xi32, #tpu.memory_space<vmem>>)
      tpu.yield
    }) : () -> ()
    %dma_start3A_19 = arith.constant 0 : i32
    %dma_start3A_20 = arith.constant 0 : i32
    %dma_start3A_21 = tpu.memref_slice %arg2[%dma_start3A_19, %dma_start3A_20] : memref<96x128xf32, #tpu.memory_space<hbm>> -> memref<96x128xf32, #tpu.memory_space<hbm>>
    tpu.enqueue_indirect_dma source(%dma_start3A_21 : memref<96x128xf32, #tpu.memory_space<hbm>>) target(%arg6 : memref<672x128xf32, #tpu.memory_space<vmem>>) offsets(%arg5 : memref<672xi32, #tpu.memory_space<vmem>>) semaphore(%arg7 : memref<!tpu.dma_semaphore, #tpu.memory_space<semaphore_mem>>)
    %dma_wait3A_22 = arith.constant 0 : i32
    %dma_wait3A_23 = arith.constant 0 : i32
    %dma_wait3A_24 = tpu.memref_slice %arg2[%dma_wait3A_22, %dma_wait3A_23] : memref<96x128xf32, #tpu.memory_space<hbm>> -> memref<96x128xf32, #tpu.memory_space<hbm>>
    tpu.wait_indirect_dma semaphore(%arg7 : memref<!tpu.dma_semaphore, #tpu.memory_space<semaphore_mem>>) src(%dma_wait3A_24 : memref<96x128xf32, #tpu.memory_space<hbm>>) dst(%arg6 : memref<672x128xf32, #tpu.memory_space<vmem>>)
    "tpu.region"() ({
      %run_scoped3A = tpu.sem_alloc : memref<!tpu.dma_semaphore, #tpu.memory_space<semaphore_mem>>
      %dma_start3A_65 = arith.constant 0 : i32
      %dma_start3A_66 = tpu.memref_slice %arg4[%add3A_18, %dma_start3A_65] : memref<172032x128xf32, #tpu.memory_space<hbm>> -> memref<672x128xf32, #tpu.memory_space<hbm>>
      %dma_start3A_67 = arith.constant 0 : i32
      %dma_start3A_68 = tpu.memref_slice %arg4[%add3A_18, %dma_start3A_67] : memref<172032x128xf32, #tpu.memory_space<hbm>> -> memref<672x128xf32, #tpu.memory_space<hbm>>
      tpu.enqueue_dma source(%arg6 : memref<672x128xf32, #tpu.memory_space<vmem>>) target(%dma_start3A_68 : memref<672x128xf32, #tpu.memory_space<hbm>>) target_semaphore(%run_scoped3A : memref<!tpu.dma_semaphore, #tpu.memory_space<semaphore_mem>>)
      %dma_wait3A_69 = arith.constant 0 : i32
      %dma_wait3A_70 = tpu.memref_slice %arg4[%add3A_18, %dma_wait3A_69] : memref<172032x128xf32, #tpu.memory_space<hbm>> -> memref<672x128xf32, #tpu.memory_space<hbm>>
      %dma_wait3A_71 = arith.constant 0 : i32
      %dma_wait3A_72 = tpu.memref_slice %arg4[%add3A_18, %dma_wait3A_71] : memref<172032x128xf32, #tpu.memory_space<hbm>> -> memref<672x128xf32, #tpu.memory_space<hbm>>
      tpu.wait_dma2 semaphore(%run_scoped3A : memref<!tpu.dma_semaphore, #tpu.memory_space<semaphore_mem>>) src(%arg6 : memref<672x128xf32, #tpu.memory_space<vmem>>) dst(%dma_wait3A_72 : memref<672x128xf32, #tpu.memory_space<hbm>>)
      tpu.yield
    }) : () -> ()
    %add3A_25 = arith.constant 2016 : i32
    %add3A_26 = arith.addi %mul3A_2, %add3A_25 : i32
    "tpu.region"() ({
      %run_scoped3A = tpu.sem_alloc : memref<!tpu.dma_semaphore, #tpu.memory_space<semaphore_mem>>
      %dma_start3A_65 = tpu.memref_slice %arg3[%add3A_26] : memref<172032xi32, #tpu.memory_space<hbm>> -> memref<672xi32, #tpu.memory_space<hbm>>
      %dma_start3A_66 = tpu.memref_slice %arg3[%add3A_26] : memref<172032xi32, #tpu.memory_space<hbm>> -> memref<672xi32, #tpu.memory_space<hbm>>
      tpu.enqueue_dma source(%dma_start3A_66 : memref<672xi32, #tpu.memory_space<hbm>>) target(%arg5 : memref<672xi32, #tpu.memory_space<vmem>>) target_semaphore(%run_scoped3A : memref<!tpu.dma_semaphore, #tpu.memory_space<semaphore_mem>>)
      %dma_wait3A_67 = tpu.memref_slice %arg3[%add3A_26] : memref<172032xi32, #tpu.memory_space<hbm>> -> memref<672xi32, #tpu.memory_space<hbm>>
      %dma_wait3A_68 = tpu.memref_slice %arg3[%add3A_26] : memref<172032xi32, #tpu.memory_space<hbm>> -> memref<672xi32, #tpu.memory_space<hbm>>
      tpu.wait_dma2 semaphore(%run_scoped3A : memref<!tpu.dma_semaphore, #tpu.memory_space<semaphore_mem>>) src(%dma_wait3A_68 : memref<672xi32, #tpu.memory_space<hbm>>) dst(%arg5 : memref<672xi32, #tpu.memory_space<vmem>>)
      tpu.yield
    }) : () -> ()
    %dma_start3A_27 = arith.constant 0 : i32
    %dma_start3A_28 = arith.constant 0 : i32
    %dma_start3A_29 = tpu.memref_slice %arg2[%dma_start3A_27, %dma_start3A_28] : memref<96x128xf32, #tpu.memory_space<hbm>> -> memref<96x128xf32, #tpu.memory_space<hbm>>
    tpu.enqueue_indirect_dma source(%dma_start3A_29 : memref<96x128xf32, #tpu.memory_space<hbm>>) target(%arg6 : memref<672x128xf32, #tpu.memory_space<vmem>>) offsets(%arg5 : memref<672xi32, #tpu.memory_space<vmem>>) semaphore(%arg7 : memref<!tpu.dma_semaphore, #tpu.memory_space<semaphore_mem>>)
    %dma_wait3A_30 = arith.constant 0 : i32
    %dma_wait3A_31 = arith.constant 0 : i32
    %dma_wait3A_32 = tpu.memref_slice %arg2[%dma_wait3A_30, %dma_wait3A_31] : memref<96x128xf32, #tpu.memory_space<hbm>> -> memref<96x128xf32, #tpu.memory_space<hbm>>
    tpu.wait_indirect_dma semaphore(%arg7 : memref<!tpu.dma_semaphore, #tpu.memory_space<semaphore_mem>>) src(%dma_wait3A_32 : memref<96x128xf32, #tpu.memory_space<hbm>>) dst(%arg6 : memref<672x128xf32, #tpu.memory_space<vmem>>)
    "tpu.region"() ({
      %run_scoped3A = tpu.sem_alloc : memref<!tpu.dma_semaphore, #tpu.memory_space<semaphore_mem>>
      %dma_start3A_65 = arith.constant 0 : i32
      %dma_start3A_66 = tpu.memref_slice %arg4[%add3A_26, %dma_start3A_65] : memref<172032x128xf32, #tpu.memory_space<hbm>> -> memref<672x128xf32, #tpu.memory_space<hbm>>
      %dma_start3A_67 = arith.constant 0 : i32
      %dma_start3A_68 = tpu.memref_slice %arg4[%add3A_26, %dma_start3A_67] : memref<172032x128xf32, #tpu.memory_space<hbm>> -> memref<672x128xf32, #tpu.memory_space<hbm>>
      tpu.enqueue_dma source(%arg6 : memref<672x128xf32, #tpu.memory_space<vmem>>) target(%dma_start3A_68 : memref<672x128xf32, #tpu.memory_space<hbm>>) target_semaphore(%run_scoped3A : memref<!tpu.dma_semaphore, #tpu.memory_space<semaphore_mem>>)
      %dma_wait3A_69 = arith.constant 0 : i32
      %dma_wait3A_70 = tpu.memref_slice %arg4[%add3A_26, %dma_wait3A_69] : memref<172032x128xf32, #tpu.memory_space<hbm>> -> memref<672x128xf32, #tpu.memory_space<hbm>>
      %dma_wait3A_71 = arith.constant 0 : i32
      %dma_wait3A_72 = tpu.memref_slice %arg4[%add3A_26, %dma_wait3A_71] : memref<172032x128xf32, #tpu.memory_space<hbm>> -> memref<672x128xf32, #tpu.memory_space<hbm>>
      tpu.wait_dma2 semaphore(%run_scoped3A : memref<!tpu.dma_semaphore, #tpu.memory_space<semaphore_mem>>) src(%arg6 : memref<672x128xf32, #tpu.memory_space<vmem>>) dst(%dma_wait3A_72 : memref<672x128xf32, #tpu.memory_space<hbm>>)
      tpu.yield
    }) : () -> ()
    %add3A_33 = arith.constant 2688 : i32
    %add3A_34 = arith.addi %mul3A_2, %add3A_33 : i32
    "tpu.region"() ({
      %run_scoped3A = tpu.sem_alloc : memref<!tpu.dma_semaphore, #tpu.memory_space<semaphore_mem>>
      %dma_start3A_65 = tpu.memref_slice %arg3[%add3A_34] : memref<172032xi32, #tpu.memory_space<hbm>> -> memref<672xi32, #tpu.memory_space<hbm>>
      %dma_start3A_66 = tpu.memref_slice %arg3[%add3A_34] : memref<172032xi32, #tpu.memory_space<hbm>> -> memref<672xi32, #tpu.memory_space<hbm>>
      tpu.enqueue_dma source(%dma_start3A_66 : memref<672xi32, #tpu.memory_space<hbm>>) target(%arg5 : memref<672xi32, #tpu.memory_space<vmem>>) target_semaphore(%run_scoped3A : memref<!tpu.dma_semaphore, #tpu.memory_space<semaphore_mem>>)
      %dma_wait3A_67 = tpu.memref_slice %arg3[%add3A_34] : memref<172032xi32, #tpu.memory_space<hbm>> -> memref<672xi32, #tpu.memory_space<hbm>>
      %dma_wait3A_68 = tpu.memref_slice %arg3[%add3A_34] : memref<172032xi32, #tpu.memory_space<hbm>> -> memref<672xi32, #tpu.memory_space<hbm>>
      tpu.wait_dma2 semaphore(%run_scoped3A : memref<!tpu.dma_semaphore, #tpu.memory_space<semaphore_mem>>) src(%dma_wait3A_68 : memref<672xi32, #tpu.memory_space<hbm>>) dst(%arg5 : memref<672xi32, #tpu.memory_space<vmem>>)
      tpu.yield
    }) : () -> ()
    %dma_start3A_35 = arith.constant 0 : i32
    %dma_start3A_36 = arith.constant 0 : i32
    %dma_start3A_37 = tpu.memref_slice %arg2[%dma_start3A_35, %dma_start3A_36] : memref<96x128xf32, #tpu.memory_space<hbm>> -> memref<96x128xf32, #tpu.memory_space<hbm>>
    tpu.enqueue_indirect_dma source(%dma_start3A_37 : memref<96x128xf32, #tpu.memory_space<hbm>>) target(%arg6 : memref<672x128xf32, #tpu.memory_space<vmem>>) offsets(%arg5 : memref<672xi32, #tpu.memory_space<vmem>>) semaphore(%arg7 : memref<!tpu.dma_semaphore, #tpu.memory_space<semaphore_mem>>)
    %dma_wait3A_38 = arith.constant 0 : i32
    %dma_wait3A_39 = arith.constant 0 : i32
    %dma_wait3A_40 = tpu.memref_slice %arg2[%dma_wait3A_38, %dma_wait3A_39] : memref<96x128xf32, #tpu.memory_space<hbm>> -> memref<96x128xf32, #tpu.memory_space<hbm>>
    tpu.wait_indirect_dma semaphore(%arg7 : memref<!tpu.dma_semaphore, #tpu.memory_space<semaphore_mem>>) src(%dma_wait3A_40 : memref<96x128xf32, #tpu.memory_space<hbm>>) dst(%arg6 : memref<672x128xf32, #tpu.memory_space<vmem>>)
    "tpu.region"() ({
      %run_scoped3A = tpu.sem_alloc : memref<!tpu.dma_semaphore, #tpu.memory_space<semaphore_mem>>
      %dma_start3A_65 = arith.constant 0 : i32
      %dma_start3A_66 = tpu.memref_slice %arg4[%add3A_34, %dma_start3A_65] : memref<172032x128xf32, #tpu.memory_space<hbm>> -> memref<672x128xf32, #tpu.memory_space<hbm>>
      %dma_start3A_67 = arith.constant 0 : i32
      %dma_start3A_68 = tpu.memref_slice %arg4[%add3A_34, %dma_start3A_67] : memref<172032x128xf32, #tpu.memory_space<hbm>> -> memref<672x128xf32, #tpu.memory_space<hbm>>
      tpu.enqueue_dma source(%arg6 : memref<672x128xf32, #tpu.memory_space<vmem>>) target(%dma_start3A_68 : memref<672x128xf32, #tpu.memory_space<hbm>>) target_semaphore(%run_scoped3A : memref<!tpu.dma_semaphore, #tpu.memory_space<semaphore_mem>>)
      %dma_wait3A_69 = arith.constant 0 : i32
      %dma_wait3A_70 = tpu.memref_slice %arg4[%add3A_34, %dma_wait3A_69] : memref<172032x128xf32, #tpu.memory_space<hbm>> -> memref<672x128xf32, #tpu.memory_space<hbm>>
      %dma_wait3A_71 = arith.constant 0 : i32
      %dma_wait3A_72 = tpu.memref_slice %arg4[%add3A_34, %dma_wait3A_71] : memref<172032x128xf32, #tpu.memory_space<hbm>> -> memref<672x128xf32, #tpu.memory_space<hbm>>
      tpu.wait_dma2 semaphore(%run_scoped3A : memref<!tpu.dma_semaphore, #tpu.memory_space<semaphore_mem>>) src(%arg6 : memref<672x128xf32, #tpu.memory_space<vmem>>) dst(%dma_wait3A_72 : memref<672x128xf32, #tpu.memory_space<hbm>>)
      tpu.yield
    }) : () -> ()
    %add3A_41 = arith.constant 3360 : i32
    %add3A_42 = arith.addi %mul3A_2, %add3A_41 : i32
    "tpu.region"() ({
      %run_scoped3A = tpu.sem_alloc : memref<!tpu.dma_semaphore, #tpu.memory_space<semaphore_mem>>
      %dma_start3A_65 = tpu.memref_slice %arg3[%add3A_42] : memref<172032xi32, #tpu.memory_space<hbm>> -> memref<672xi32, #tpu.memory_space<hbm>>
      %dma_start3A_66 = tpu.memref_slice %arg3[%add3A_42] : memref<172032xi32, #tpu.memory_space<hbm>> -> memref<672xi32, #tpu.memory_space<hbm>>
      tpu.enqueue_dma source(%dma_start3A_66 : memref<672xi32, #tpu.memory_space<hbm>>) target(%arg5 : memref<672xi32, #tpu.memory_space<vmem>>) target_semaphore(%run_scoped3A : memref<!tpu.dma_semaphore, #tpu.memory_space<semaphore_mem>>)
      %dma_wait3A_67 = tpu.memref_slice %arg3[%add3A_42] : memref<172032xi32, #tpu.memory_space<hbm>> -> memref<672xi32, #tpu.memory_space<hbm>>
      %dma_wait3A_68 = tpu.memref_slice %arg3[%add3A_42] : memref<172032xi32, #tpu.memory_space<hbm>> -> memref<672xi32, #tpu.memory_space<hbm>>
      tpu.wait_dma2 semaphore(%run_scoped3A : memref<!tpu.dma_semaphore, #tpu.memory_space<semaphore_mem>>) src(%dma_wait3A_68 : memref<672xi32, #tpu.memory_space<hbm>>) dst(%arg5 : memref<672xi32, #tpu.memory_space<vmem>>)
      tpu.yield
    }) : () -> ()
    %dma_start3A_43 = arith.constant 0 : i32
    %dma_start3A_44 = arith.constant 0 : i32
    %dma_start3A_45 = tpu.memref_slice %arg2[%dma_start3A_43, %dma_start3A_44] : memref<96x128xf32, #tpu.memory_space<hbm>> -> memref<96x128xf32, #tpu.memory_space<hbm>>
    tpu.enqueue_indirect_dma source(%dma_start3A_45 : memref<96x128xf32, #tpu.memory_space<hbm>>) target(%arg6 : memref<672x128xf32, #tpu.memory_space<vmem>>) offsets(%arg5 : memref<672xi32, #tpu.memory_space<vmem>>) semaphore(%arg7 : memref<!tpu.dma_semaphore, #tpu.memory_space<semaphore_mem>>)
    %dma_wait3A_46 = arith.constant 0 : i32
    %dma_wait3A_47 = arith.constant 0 : i32
    %dma_wait3A_48 = tpu.memref_slice %arg2[%dma_wait3A_46, %dma_wait3A_47] : memref<96x128xf32, #tpu.memory_space<hbm>> -> memref<96x128xf32, #tpu.memory_space<hbm>>
    tpu.wait_indirect_dma semaphore(%arg7 : memref<!tpu.dma_semaphore, #tpu.memory_space<semaphore_mem>>) src(%dma_wait3A_48 : memref<96x128xf32, #tpu.memory_space<hbm>>) dst(%arg6 : memref<672x128xf32, #tpu.memory_space<vmem>>)
    "tpu.region"() ({
      %run_scoped3A = tpu.sem_alloc : memref<!tpu.dma_semaphore, #tpu.memory_space<semaphore_mem>>
      %dma_start3A_65 = arith.constant 0 : i32
      %dma_start3A_66 = tpu.memref_slice %arg4[%add3A_42, %dma_start3A_65] : memref<172032x128xf32, #tpu.memory_space<hbm>> -> memref<672x128xf32, #tpu.memory_space<hbm>>
      %dma_start3A_67 = arith.constant 0 : i32
      %dma_start3A_68 = tpu.memref_slice %arg4[%add3A_42, %dma_start3A_67] : memref<172032x128xf32, #tpu.memory_space<hbm>> -> memref<672x128xf32, #tpu.memory_space<hbm>>
      tpu.enqueue_dma source(%arg6 : memref<672x128xf32, #tpu.memory_space<vmem>>) target(%dma_start3A_68 : memref<672x128xf32, #tpu.memory_space<hbm>>) target_semaphore(%run_scoped3A : memref<!tpu.dma_semaphore, #tpu.memory_space<semaphore_mem>>)
      %dma_wait3A_69 = arith.constant 0 : i32
      %dma_wait3A_70 = tpu.memref_slice %arg4[%add3A_42, %dma_wait3A_69] : memref<172032x128xf32, #tpu.memory_space<hbm>> -> memref<672x128xf32, #tpu.memory_space<hbm>>
      %dma_wait3A_71 = arith.constant 0 : i32
      %dma_wait3A_72 = tpu.memref_slice %arg4[%add3A_42, %dma_wait3A_71] : memref<172032x128xf32, #tpu.memory_space<hbm>> -> memref<672x128xf32, #tpu.memory_space<hbm>>
      tpu.wait_dma2 semaphore(%run_scoped3A : memref<!tpu.dma_semaphore, #tpu.memory_space<semaphore_mem>>) src(%arg6 : memref<672x128xf32, #tpu.memory_space<vmem>>) dst(%dma_wait3A_72 : memref<672x128xf32, #tpu.memory_space<hbm>>)
      tpu.yield
    }) : () -> ()
    %add3A_49 = arith.constant 4032 : i32
    %add3A_50 = arith.addi %mul3A_2, %add3A_49 : i32
    "tpu.region"() ({
      %run_scoped3A = tpu.sem_alloc : memref<!tpu.dma_semaphore, #tpu.memory_space<semaphore_mem>>
      %dma_start3A_65 = tpu.memref_slice %arg3[%add3A_50] : memref<172032xi32, #tpu.memory_space<hbm>> -> memref<672xi32, #tpu.memory_space<hbm>>
      %dma_start3A_66 = tpu.memref_slice %arg3[%add3A_50] : memref<172032xi32, #tpu.memory_space<hbm>> -> memref<672xi32, #tpu.memory_space<hbm>>
      tpu.enqueue_dma source(%dma_start3A_66 : memref<672xi32, #tpu.memory_space<hbm>>) target(%arg5 : memref<672xi32, #tpu.memory_space<vmem>>) target_semaphore(%run_scoped3A : memref<!tpu.dma_semaphore, #tpu.memory_space<semaphore_mem>>)
      %dma_wait3A_67 = tpu.memref_slice %arg3[%add3A_50] : memref<172032xi32, #tpu.memory_space<hbm>> -> memref<672xi32, #tpu.memory_space<hbm>>
      %dma_wait3A_68 = tpu.memref_slice %arg3[%add3A_50] : memref<172032xi32, #tpu.memory_space<hbm>> -> memref<672xi32, #tpu.memory_space<hbm>>
      tpu.wait_dma2 semaphore(%run_scoped3A : memref<!tpu.dma_semaphore, #tpu.memory_space<semaphore_mem>>) src(%dma_wait3A_68 : memref<672xi32, #tpu.memory_space<hbm>>) dst(%arg5 : memref<672xi32, #tpu.memory_space<vmem>>)
      tpu.yield
    }) : () -> ()
    %dma_start3A_51 = arith.constant 0 : i32
    %dma_start3A_52 = arith.constant 0 : i32
    %dma_start3A_53 = tpu.memref_slice %arg2[%dma_start3A_51, %dma_start3A_52] : memref<96x128xf32, #tpu.memory_space<hbm>> -> memref<96x128xf32, #tpu.memory_space<hbm>>
    tpu.enqueue_indirect_dma source(%dma_start3A_53 : memref<96x128xf32, #tpu.memory_space<hbm>>) target(%arg6 : memref<672x128xf32, #tpu.memory_space<vmem>>) offsets(%arg5 : memref<672xi32, #tpu.memory_space<vmem>>) semaphore(%arg7 : memref<!tpu.dma_semaphore, #tpu.memory_space<semaphore_mem>>)
    %dma_wait3A_54 = arith.constant 0 : i32
    %dma_wait3A_55 = arith.constant 0 : i32
    %dma_wait3A_56 = tpu.memref_slice %arg2[%dma_wait3A_54, %dma_wait3A_55] : memref<96x128xf32, #tpu.memory_space<hbm>> -> memref<96x128xf32, #tpu.memory_space<hbm>>
    tpu.wait_indirect_dma semaphore(%arg7 : memref<!tpu.dma_semaphore, #tpu.memory_space<semaphore_mem>>) src(%dma_wait3A_56 : memref<96x128xf32, #tpu.memory_space<hbm>>) dst(%arg6 : memref<672x128xf32, #tpu.memory_space<vmem>>)
    "tpu.region"() ({
      %run_scoped3A = tpu.sem_alloc : memref<!tpu.dma_semaphore, #tpu.memory_space<semaphore_mem>>
      %dma_start3A_65 = arith.constant 0 : i32
      %dma_start3A_66 = tpu.memref_slice %arg4[%add3A_50, %dma_start3A_65] : memref<172032x128xf32, #tpu.memory_space<hbm>> -> memref<672x128xf32, #tpu.memory_space<hbm>>
      %dma_start3A_67 = arith.constant 0 : i32
      %dma_start3A_68 = tpu.memref_slice %arg4[%add3A_50, %dma_start3A_67] : memref<172032x128xf32, #tpu.memory_space<hbm>> -> memref<672x128xf32, #tpu.memory_space<hbm>>
      tpu.enqueue_dma source(%arg6 : memref<672x128xf32, #tpu.memory_space<vmem>>) target(%dma_start3A_68 : memref<672x128xf32, #tpu.memory_space<hbm>>) target_semaphore(%run_scoped3A : memref<!tpu.dma_semaphore, #tpu.memory_space<semaphore_mem>>)
      %dma_wait3A_69 = arith.constant 0 : i32
      %dma_wait3A_70 = tpu.memref_slice %arg4[%add3A_50, %dma_wait3A_69] : memref<172032x128xf32, #tpu.memory_space<hbm>> -> memref<672x128xf32, #tpu.memory_space<hbm>>
      %dma_wait3A_71 = arith.constant 0 : i32
      %dma_wait3A_72 = tpu.memref_slice %arg4[%add3A_50, %dma_wait3A_71] : memref<172032x128xf32, #tpu.memory_space<hbm>> -> memref<672x128xf32, #tpu.memory_space<hbm>>
      tpu.wait_dma2 semaphore(%run_scoped3A : memref<!tpu.dma_semaphore, #tpu.memory_space<semaphore_mem>>) src(%arg6 : memref<672x128xf32, #tpu.memory_space<vmem>>) dst(%dma_wait3A_72 : memref<672x128xf32, #tpu.memory_space<hbm>>)
      tpu.yield
    }) : () -> ()
    %add3A_57 = arith.constant 4704 : i32
    %add3A_58 = arith.addi %mul3A_2, %add3A_57 : i32
    "tpu.region"() ({
      %run_scoped3A = tpu.sem_alloc : memref<!tpu.dma_semaphore, #tpu.memory_space<semaphore_mem>>
      %dma_start3A_65 = tpu.memref_slice %arg3[%add3A_58] : memref<172032xi32, #tpu.memory_space<hbm>> -> memref<672xi32, #tpu.memory_space<hbm>>
      %dma_start3A_66 = tpu.memref_slice %arg3[%add3A_58] : memref<172032xi32, #tpu.memory_space<hbm>> -> memref<672xi32, #tpu.memory_space<hbm>>
      tpu.enqueue_dma source(%dma_start3A_66 : memref<672xi32, #tpu.memory_space<hbm>>) target(%arg5 : memref<672xi32, #tpu.memory_space<vmem>>) target_semaphore(%run_scoped3A : memref<!tpu.dma_semaphore, #tpu.memory_space<semaphore_mem>>)
      %dma_wait3A_67 = tpu.memref_slice %arg3[%add3A_58] : memref<172032xi32, #tpu.memory_space<hbm>> -> memref<672xi32, #tpu.memory_space<hbm>>
      %dma_wait3A_68 = tpu.memref_slice %arg3[%add3A_58] : memref<172032xi32, #tpu.memory_space<hbm>> -> memref<672xi32, #tpu.memory_space<hbm>>
      tpu.wait_dma2 semaphore(%run_scoped3A : memref<!tpu.dma_semaphore, #tpu.memory_space<semaphore_mem>>) src(%dma_wait3A_68 : memref<672xi32, #tpu.memory_space<hbm>>) dst(%arg5 : memref<672xi32, #tpu.memory_space<vmem>>)
      tpu.yield
    }) : () -> ()
    %dma_start3A_59 = arith.constant 0 : i32
    %dma_start3A_60 = arith.constant 0 : i32
    %dma_start3A_61 = tpu.memref_slice %arg2[%dma_start3A_59, %dma_start3A_60] : memref<96x128xf32, #tpu.memory_space<hbm>> -> memref<96x128xf32, #tpu.memory_space<hbm>>
    tpu.enqueue_indirect_dma source(%dma_start3A_61 : memref<96x128xf32, #tpu.memory_space<hbm>>) target(%arg6 : memref<672x128xf32, #tpu.memory_space<vmem>>) offsets(%arg5 : memref<672xi32, #tpu.memory_space<vmem>>) semaphore(%arg7 : memref<!tpu.dma_semaphore, #tpu.memory_space<semaphore_mem>>)
    %dma_wait3A_62 = arith.constant 0 : i32
    %dma_wait3A_63 = arith.constant 0 : i32
    %dma_wait3A_64 = tpu.memref_slice %arg2[%dma_wait3A_62, %dma_wait3A_63] : memref<96x128xf32, #tpu.memory_space<hbm>> -> memref<96x128xf32, #tpu.memory_space<hbm>>
    tpu.wait_indirect_dma semaphore(%arg7 : memref<!tpu.dma_semaphore, #tpu.memory_space<semaphore_mem>>) src(%dma_wait3A_64 : memref<96x128xf32, #tpu.memory_space<hbm>>) dst(%arg6 : memref<672x128xf32, #tpu.memory_space<vmem>>)
    "tpu.region"() ({
      %run_scoped3A = tpu.sem_alloc : memref<!tpu.dma_semaphore, #tpu.memory_space<semaphore_mem>>
      %dma_start3A_65 = arith.constant 0 : i32
      %dma_start3A_66 = tpu.memref_slice %arg4[%add3A_58, %dma_start3A_65] : memref<172032x128xf32, #tpu.memory_space<hbm>> -> memref<672x128xf32, #tpu.memory_space<hbm>>
      %dma_start3A_67 = arith.constant 0 : i32
      %dma_start3A_68 = tpu.memref_slice %arg4[%add3A_58, %dma_start3A_67] : memref<172032x128xf32, #tpu.memory_space<hbm>> -> memref<672x128xf32, #tpu.memory_space<hbm>>
      tpu.enqueue_dma source(%arg6 : memref<672x128xf32, #tpu.memory_space<vmem>>) target(%dma_start3A_68 : memref<672x128xf32, #tpu.memory_space<hbm>>) target_semaphore(%run_scoped3A : memref<!tpu.dma_semaphore, #tpu.memory_space<semaphore_mem>>)
      %dma_wait3A_69 = arith.constant 0 : i32
      %dma_wait3A_70 = tpu.memref_slice %arg4[%add3A_58, %dma_wait3A_69] : memref<172032x128xf32, #tpu.memory_space<hbm>> -> memref<672x128xf32, #tpu.memory_space<hbm>>
      %dma_wait3A_71 = arith.constant 0 : i32
      %dma_wait3A_72 = tpu.memref_slice %arg4[%add3A_58, %dma_wait3A_71] : memref<172032x128xf32, #tpu.memory_space<hbm>> -> memref<672x128xf32, #tpu.memory_space<hbm>>
      tpu.wait_dma2 semaphore(%run_scoped3A : memref<!tpu.dma_semaphore, #tpu.memory_space<semaphore_mem>>) src(%arg6 : memref<672x128xf32, #tpu.memory_space<vmem>>) dst(%dma_wait3A_72 : memref<672x128xf32, #tpu.memory_space<hbm>>)
      tpu.yield
    }) : () -> ()
    return
  }
}

module attributes {stable_mosaic.version = 14 : i64} {
  func.func @_dense_body(%arg0: i32, %arg1: memref<21x512x128xf32, #tpu.memory_space<vmem>>, %arg2: memref<5x128x256xbf16, #tpu.memory_space<vmem>>, %arg3: memref<1x256xf32, #tpu.memory_space<vmem>>, %arg4: memref<256x256xf32, #tpu.memory_space<vmem>>, %arg5: memref<1x256xf32, #tpu.memory_space<vmem>>, %arg6: memref<256x256xf32, #tpu.memory_space<vmem>>, %arg7: memref<1x256xf32, #tpu.memory_space<vmem>>, %arg8: memref<512x256xf32, #tpu.memory_space<vmem>>) attributes {dimension_semantics = [#tpu.dimension_semantics<arbitrary>], iteration_bounds = array<i64: 16>, scalar_prefetch = 0 : i64, scratch_operands = 0 : i64, tpu.core_type = #tpu.core_type<tc>, window_params = [{transform_indices = @transform_0, window_bounds = array<i64: 21, 512, 128>}, {pipeline_mode = #tpu.pipeline_mode<synchronous>, transform_indices = @transform_1, window_bounds = array<i64: 5, 128, 256>}, {pipeline_mode = #tpu.pipeline_mode<synchronous>, transform_indices = @transform_2, window_bounds = array<i64: 1, 256>}, {pipeline_mode = #tpu.pipeline_mode<synchronous>, transform_indices = @transform_3, window_bounds = array<i64: 256, 256>}, {pipeline_mode = #tpu.pipeline_mode<synchronous>, transform_indices = @transform_4, window_bounds = array<i64: 1, 256>}, {pipeline_mode = #tpu.pipeline_mode<synchronous>, transform_indices = @transform_5, window_bounds = array<i64: 256, 256>}, {pipeline_mode = #tpu.pipeline_mode<synchronous>, transform_indices = @transform_6, window_bounds = array<i64: 1, 256>}, {transform_indices = @transform_7, window_bounds = array<i64: 512, 256>}]} {
    %get3A = arith.constant 0 : index
    %get3A_0 = arith.constant 0 : index
    %get3A_1 = arith.constant 0 : index
    %get3A_2 = vector.load %arg1[%get3A, %get3A_0, %get3A_1] : memref<21x512x128xf32, #tpu.memory_space<vmem>>, vector<21x512x128xf32>
    %convert_element_type3A = arith.truncf %get3A_2 : vector<21x512x128xf32> to vector<21x512x128xbf16>
    %slice3A = vector.extract_strided_slice %convert_element_type3A {offsets = [0, 0, 0], sizes = [17, 512, 128], strides = [1, 1, 1]} : vector<21x512x128xbf16> to vector<17x512x128xbf16>
    %reshape3A = vector.shape_cast %slice3A : vector<17x512x128xbf16> to vector<8704x128xbf16>
    %get3A_3 = arith.constant 0 : index
    %get3A_4 = arith.constant 0 : index
    %get3A_5 = arith.constant 0 : index
    %get3A_6 = vector.load %arg2[%get3A_3, %get3A_4, %get3A_5] : memref<5x128x256xbf16, #tpu.memory_space<vmem>>, vector<1x128x256xbf16>
    %get3A_7 = vector.shape_cast %get3A_6 : vector<1x128x256xbf16> to vector<128x256xbf16>
    %dot_general3A = arith.constant dense<0.000000e+00> : vector<8704x256xf32>
    %dot_general3A_8 = tpu.matmul %reshape3A, %get3A_7, %dot_general3A {dimension_numbers = #tpu.dot_dimension_numbers<[1], [0], [0], [1], [0, 0, 1, 1], [], []>, transpose_lhs_hint = false} : vector<8704x128xbf16>, vector<128x256xbf16>, vector<8704x256xf32> -> vector<8704x256xf32>
    %slice3A_9 = vector.extract_strided_slice %convert_element_type3A {offsets = [1, 0, 0], sizes = [17, 512, 128], strides = [1, 1, 1]} : vector<21x512x128xbf16> to vector<17x512x128xbf16>
    %reshape3A_10 = vector.shape_cast %slice3A_9 : vector<17x512x128xbf16> to vector<8704x128xbf16>
    %get3A_11 = arith.constant 1 : index
    %get3A_12 = arith.constant 0 : index
    %get3A_13 = arith.constant 0 : index
    %get3A_14 = vector.load %arg2[%get3A_11, %get3A_12, %get3A_13] : memref<5x128x256xbf16, #tpu.memory_space<vmem>>, vector<1x128x256xbf16>
    %get3A_15 = vector.shape_cast %get3A_14 : vector<1x128x256xbf16> to vector<128x256xbf16>
    %dot_general3A_16 = arith.constant dense<0.000000e+00> : vector<8704x256xf32>
    %dot_general3A_17 = tpu.matmul %reshape3A_10, %get3A_15, %dot_general3A_16 {dimension_numbers = #tpu.dot_dimension_numbers<[1], [0], [0], [1], [0, 0, 1, 1], [], []>, transpose_lhs_hint = false} : vector<8704x128xbf16>, vector<128x256xbf16>, vector<8704x256xf32> -> vector<8704x256xf32>
    %add3A = arith.addf %dot_general3A_8, %dot_general3A_17 : vector<8704x256xf32>
    %slice3A_18 = vector.extract_strided_slice %convert_element_type3A {offsets = [2, 0, 0], sizes = [17, 512, 128], strides = [1, 1, 1]} : vector<21x512x128xbf16> to vector<17x512x128xbf16>
    %reshape3A_19 = vector.shape_cast %slice3A_18 : vector<17x512x128xbf16> to vector<8704x128xbf16>
    %get3A_20 = arith.constant 2 : index
    %get3A_21 = arith.constant 0 : index
    %get3A_22 = arith.constant 0 : index
    %get3A_23 = vector.load %arg2[%get3A_20, %get3A_21, %get3A_22] : memref<5x128x256xbf16, #tpu.memory_space<vmem>>, vector<1x128x256xbf16>
    %get3A_24 = vector.shape_cast %get3A_23 : vector<1x128x256xbf16> to vector<128x256xbf16>
    %dot_general3A_25 = arith.constant dense<0.000000e+00> : vector<8704x256xf32>
    %dot_general3A_26 = tpu.matmul %reshape3A_19, %get3A_24, %dot_general3A_25 {dimension_numbers = #tpu.dot_dimension_numbers<[1], [0], [0], [1], [0, 0, 1, 1], [], []>, transpose_lhs_hint = false} : vector<8704x128xbf16>, vector<128x256xbf16>, vector<8704x256xf32> -> vector<8704x256xf32>
    %add3A_27 = arith.addf %add3A, %dot_general3A_26 : vector<8704x256xf32>
    %slice3A_28 = vector.extract_strided_slice %convert_element_type3A {offsets = [3, 0, 0], sizes = [17, 512, 128], strides = [1, 1, 1]} : vector<21x512x128xbf16> to vector<17x512x128xbf16>
    %reshape3A_29 = vector.shape_cast %slice3A_28 : vector<17x512x128xbf16> to vector<8704x128xbf16>
    %get3A_30 = arith.constant 3 : index
    %get3A_31 = arith.constant 0 : index
    %get3A_32 = arith.constant 0 : index
    %get3A_33 = vector.load %arg2[%get3A_30, %get3A_31, %get3A_32] : memref<5x128x256xbf16, #tpu.memory_space<vmem>>, vector<1x128x256xbf16>
    %get3A_34 = vector.shape_cast %get3A_33 : vector<1x128x256xbf16> to vector<128x256xbf16>
    %dot_general3A_35 = arith.constant dense<0.000000e+00> : vector<8704x256xf32>
    %dot_general3A_36 = tpu.matmul %reshape3A_29, %get3A_34, %dot_general3A_35 {dimension_numbers = #tpu.dot_dimension_numbers<[1], [0], [0], [1], [0, 0, 1, 1], [], []>, transpose_lhs_hint = false} : vector<8704x128xbf16>, vector<128x256xbf16>, vector<8704x256xf32> -> vector<8704x256xf32>
    %add3A_37 = arith.addf %add3A_27, %dot_general3A_36 : vector<8704x256xf32>
    %slice3A_38 = vector.extract_strided_slice %convert_element_type3A {offsets = [4, 0, 0], sizes = [17, 512, 128], strides = [1, 1, 1]} : vector<21x512x128xbf16> to vector<17x512x128xbf16>
    %reshape3A_39 = vector.shape_cast %slice3A_38 : vector<17x512x128xbf16> to vector<8704x128xbf16>
    %get3A_40 = arith.constant 4 : index
    %get3A_41 = arith.constant 0 : index
    %get3A_42 = arith.constant 0 : index
    %get3A_43 = vector.load %arg2[%get3A_40, %get3A_41, %get3A_42] : memref<5x128x256xbf16, #tpu.memory_space<vmem>>, vector<1x128x256xbf16>
    %get3A_44 = vector.shape_cast %get3A_43 : vector<1x128x256xbf16> to vector<128x256xbf16>
    %dot_general3A_45 = arith.constant dense<0.000000e+00> : vector<8704x256xf32>
    %dot_general3A_46 = tpu.matmul %reshape3A_39, %get3A_44, %dot_general3A_45 {dimension_numbers = #tpu.dot_dimension_numbers<[1], [0], [0], [1], [0, 0, 1, 1], [], []>, transpose_lhs_hint = false} : vector<8704x128xbf16>, vector<128x256xbf16>, vector<8704x256xf32> -> vector<8704x256xf32>
    %add3A_47 = arith.addf %add3A_37, %dot_general3A_46 : vector<8704x256xf32>
    %reshape3A_48 = vector.shape_cast %add3A_47 : vector<8704x256xf32> to vector<17x512x256xf32>
    %reduce_max3A = arith.constant dense<0xFF800000> : vector<512x256xf32>
    %reduce_max3A_49 = vector.multi_reduction <maximumf>, %reshape3A_48, %reduce_max3A [0] : vector<17x512x256xf32> to vector<512x256xf32>
    %get3A_50 = arith.constant 0 : index
    %get3A_51 = arith.constant 0 : index
    %get3A_52 = vector.load %arg3[%get3A_50, %get3A_51] : memref<1x256xf32, #tpu.memory_space<vmem>>, vector<1x256xf32>
    %add3A_53 = vector.broadcast %get3A_52 : vector<1x256xf32> to vector<512x256xf32>
    %add3A_54 = arith.addf %reduce_max3A_49, %add3A_53 : vector<512x256xf32>
    %max3A = arith.constant 0.000000e+00 : f32
    %max3A_55 = vector.broadcast %max3A : f32 to vector<512x256xf32>
    %max3A_56 = arith.maximumf %add3A_54, %max3A_55 : vector<512x256xf32>
    %get3A_57 = arith.constant 0 : index
    %get3A_58 = arith.constant 0 : index
    %get3A_59 = vector.load %arg4[%get3A_57, %get3A_58] : memref<256x256xf32, #tpu.memory_space<vmem>>, vector<256x256xf32>
    %dot_general3A_60 = arith.constant dense<0.000000e+00> : vector<512x256xf32>
    %dot_general3A_61 = tpu.matmul %max3A_56, %get3A_59, %dot_general3A_60 {dimension_numbers = #tpu.dot_dimension_numbers<[1], [0], [0], [1], [0, 0, 1, 1], [], []>, transpose_lhs_hint = false} : vector<512x256xf32>, vector<256x256xf32>, vector<512x256xf32> -> vector<512x256xf32>
    %get3A_62 = arith.constant 0 : index
    %get3A_63 = arith.constant 0 : index
    %get3A_64 = vector.load %arg5[%get3A_62, %get3A_63] : memref<1x256xf32, #tpu.memory_space<vmem>>, vector<1x256xf32>
    %add3A_65 = vector.broadcast %get3A_64 : vector<1x256xf32> to vector<512x256xf32>
    %add3A_66 = arith.addf %dot_general3A_61, %add3A_65 : vector<512x256xf32>
    %max3A_67 = arith.constant 0.000000e+00 : f32
    %max3A_68 = vector.broadcast %max3A_67 : f32 to vector<512x256xf32>
    %max3A_69 = arith.maximumf %add3A_66, %max3A_68 : vector<512x256xf32>
    %get3A_70 = arith.constant 0 : index
    %get3A_71 = arith.constant 0 : index
    %get3A_72 = vector.load %arg6[%get3A_70, %get3A_71] : memref<256x256xf32, #tpu.memory_space<vmem>>, vector<256x256xf32>
    %dot_general3A_73 = arith.constant dense<0.000000e+00> : vector<512x256xf32>
    %dot_general3A_74 = tpu.matmul %max3A_56, %get3A_72, %dot_general3A_73 {dimension_numbers = #tpu.dot_dimension_numbers<[1], [0], [0], [1], [0, 0, 1, 1], [], []>, transpose_lhs_hint = false} : vector<512x256xf32>, vector<256x256xf32>, vector<512x256xf32> -> vector<512x256xf32>
    %get3A_75 = arith.constant 0 : index
    %get3A_76 = arith.constant 0 : index
    %get3A_77 = vector.load %arg7[%get3A_75, %get3A_76] : memref<1x256xf32, #tpu.memory_space<vmem>>, vector<1x256xf32>
    %add3A_78 = vector.broadcast %get3A_77 : vector<1x256xf32> to vector<512x256xf32>
    %add3A_79 = arith.addf %dot_general3A_74, %add3A_78 : vector<512x256xf32>
    %logistic3A = arith.negf %add3A_79 : vector<512x256xf32>
    %logistic3A_80 = math.exp %logistic3A : vector<512x256xf32>
    %logistic3A_81 = arith.constant 1.000000e+00 : f32
    %logistic3A_82 = vector.broadcast %logistic3A_81 : f32 to vector<512x256xf32>
    %logistic3A_83 = arith.addf %logistic3A_82, %logistic3A_80 : vector<512x256xf32>
    %logistic3A_84 = arith.divf %logistic3A_82, %logistic3A_83 : vector<512x256xf32>
    %mul3A = arith.mulf %logistic3A_84, %max3A_69 : vector<512x256xf32>
    %sub3A = arith.constant 1.000000e+00 : f32
    %sub3A_85 = vector.broadcast %sub3A : f32 to vector<512x256xf32>
    %sub3A_86 = arith.subf %sub3A_85, %logistic3A_84 : vector<512x256xf32>
    %mul3A_87 = arith.mulf %sub3A_86, %max3A_56 : vector<512x256xf32>
    %add3A_88 = arith.addf %mul3A, %mul3A_87 : vector<512x256xf32>
    %swap3A = arith.constant 0 : index
    %swap3A_89 = arith.constant 0 : index
    %swap3A_90 = vector.load %arg8[%swap3A, %swap3A_89] : memref<512x256xf32, #tpu.memory_space<vmem>>, vector<512x256xf32>
    tpu.vector_store %arg8[%swap3A, %swap3A_89], %add3A_88 {strides = array<i32>} : memref<512x256xf32, #tpu.memory_space<vmem>>, vector<512x256xf32>,
    return
  }
  func.func @transform_0(%arg0: i32) -> (i32, i32, i32) {
    %c0_i32 = arith.constant 0 : i32
    %c0_i32_0 = arith.constant 0 : i32
    %c0_i32_1 = arith.constant 0 : i32
    return %c0_i32, %arg0, %c0_i32_0 : i32, i32, i32
  }
  func.func @transform_1(%arg0: i32) -> (i32, i32, i32) {
    %c0_i32 = arith.constant 0 : i32
    %c0_i32_0 = arith.constant 0 : i32
    %c0_i32_1 = arith.constant 0 : i32
    %c0_i32_2 = arith.constant 0 : i32
    return %c0_i32, %c0_i32_0, %c0_i32_1 : i32, i32, i32
  }
  func.func @transform_2(%arg0: i32) -> (i32, i32) {
    %c0_i32 = arith.constant 0 : i32
    %c0_i32_0 = arith.constant 0 : i32
    %c0_i32_1 = arith.constant 0 : i32
    return %c0_i32, %c0_i32_0 : i32, i32
  }
  func.func @transform_3(%arg0: i32) -> (i32, i32) {
    %c0_i32 = arith.constant 0 : i32
    %c0_i32_0 = arith.constant 0 : i32
    %c0_i32_1 = arith.constant 0 : i32
    return %c0_i32, %c0_i32_0 : i32, i32
  }
  func.func @transform_4(%arg0: i32) -> (i32, i32) {
    %c0_i32 = arith.constant 0 : i32
    %c0_i32_0 = arith.constant 0 : i32
    %c0_i32_1 = arith.constant 0 : i32
    return %c0_i32, %c0_i32_0 : i32, i32
  }
  func.func @transform_5(%arg0: i32) -> (i32, i32) {
    %c0_i32 = arith.constant 0 : i32
    %c0_i32_0 = arith.constant 0 : i32
    %c0_i32_1 = arith.constant 0 : i32
    return %c0_i32, %c0_i32_0 : i32, i32
  }
  func.func @transform_6(%arg0: i32) -> (i32, i32) {
    %c0_i32 = arith.constant 0 : i32
    %c0_i32_0 = arith.constant 0 : i32
    %c0_i32_1 = arith.constant 0 : i32
    return %c0_i32, %c0_i32_0 : i32, i32
  }
  func.func @transform_7(%arg0: i32) -> (i32, i32) {
    %c0_i32 = arith.constant 0 : i32
    %c0_i32_0 = arith.constant 0 : i32
    return %arg0, %c0_i32 : i32, i32
  }
}

</mosaic_0001>

<sc_bundles>
// kernel: kernel.4.cloned.1.call-start
scs
__scs_entry_jumppad:
0x0: {  	(pc) =	sbr.rel $0x88, $3  }
0x1: {  	(tag) =	ssettag $0x0;
	lr =	simm.s32 $0x1  }
0x2: {  	[smem:$0x3F99] =	sst lr;
	_ =	strace $0xD0000000  }
0x3: {  	_ = 	snop  }
0x4: {  	_ = 	snop  }
0x5: {  	_ = 	snop  }
0x6: {  	_ = 	snop  }
0x7: {  	_ = 	snop  }
__scs_overlays_trampoline_lowered:
0x8: {  	[smem:$0x3FA8] =	sst s0  }
0x9: {  	[smem:$0x3FA9] =	sst s1  }
0xa: {  	[smem:$0x3FAA] =	sst s2  }
0xb: {  	[smem:$0x3FAB] =	sst s3  }
0xc: {  	[smem:$0x3FAC] =	sst s4  }
0xd: {  	[smem:$0x3FAD] =	sst s5  }
0xe: {  	[smem:$0x3FAE] =	sst s6  }
0xf: {  	[smem:$0x3FAF] =	sst s7  }
0x10: {  	[smem:$0x3FB0] =	sst s8  }
0x11: {  	[smem:$0x3FB1] =	sst s9;
	s0 =	simm.s32 @!p0 $0x0  }
0x12: {  	s1 =	sld [smem:$0x3F97];
	s0 =	simm.s32 @p0 $0x1  }
0x13: {  	[smem:$0x3FB2] =	sst s0;
	s0 =	simm.s32 @!p1 $0x0  }
0x14: {  	s2 =	sld [smem:$0x3F96];
	s0 =	simm.s32 @p1 $0x1  }
0x15: {  	[smem:$0x3FB3] =	sst s0;
	s0 =	simm.s32 @!p2 $0x0  }
0x16: {  	s3 =	sld [smem:$0x3FDB];
	s0 =	simm.s32 @p2 $0x1  }
0x17: {  	s4 =	simm.s32 $0x1BF5;
	[smem:$0x3FB5] =	sst s0  }
0x18: {  	s0 =	sld [smem:$0x3F98];
	_ =	swait.ge [sflag:s4], $0x0  }
0x19: {  	s7 =	sld [smem:$0x3F99]  }
0x1a: {  	s8 =	sadd.s32 $0xFFFFE003, lr  }
0x1b: {  	s9 =	sadd.s32 $0xFFFFFEF7, lr;
	s5 =	simm.s32 $0xFFFFFFFF;
	p2 =	slt.u32 s8, $0xFFFFF086  }
0x1c: {  	p1 =	slt.u32 s9, $0xF7A;
	s5 =	simm.s32 @!p2 $0x0  }
0x1d: {  	s5 =	simm.s32 @p1 $0x1;
	p0 =	seq.s32 s7, s2  }
0x1e: {  	s7 =	smul.u32 @!p0 $0xF7A, s2;
	p2 =	seq.s32 @!p0 s5, $0x0  }
0x1f: {  	s9 =	smul.u32 $0xF7A, s1;
	s8 =	simm.s32 @!p0 $0x1BF5;
	p2 =	por !p2, p0  }
0x20: {  	[sflag:s8] =	ssyncset.s32 @!p0 $0xFFFFF086;
	s6 =	sadd.s32 @!p0 s3, s7;
	s7 =	simm.s32 @!p0 $0x108  }
0x21: {  	s3 =	sadd.s32 s3, s9;
	s6 =	sadd.s32 @!p0 $0x88, s6;
	s7 =	simm.s32 @p2 $0x1082  }
0x22: {  	[simem:s7], [sflag:s8] =	dma.local @!p0 [hbm:s6], $0xF7A  }
0x23: {  	s9 =	sor.u32 $0xD0000000, s2;
	s6 =	simm.s32 $0x108;
	_ =	swait.ge @!p0 [sflag:s8], $0x0  }
0x24: {  	s3 =	sadd.s32 $0x88, s3;
	s6 =	simm.s32 @!p1 $0x1082;
	[sflag:s4] =	ssyncset.s32 $0xFFFFF086  }
0x25: {  	[simem:s6], [sflag:s4] =	dma.local [hbm:s3], $0xF7A  }
0x26: {  	[smem:$0x3F99] =	sst s1;
	(tag) =	ssettag s2;
	_ =	strace s9  }
0x27: {  	s1 =	sld [smem:$0x3FA9]  }
0x28: {  	s2 =	sld [smem:$0x3FAA]  }
0x29: {  	s4 =	sld [smem:$0x3FAC]  }
0x2a: {  	p0 =	seq.s32 s5, $0x0;
	s5 =	sld [smem:$0x3FAD]  }
0x2b: {  	s6 =	sld [smem:$0x3FAE]  }
0x2c: {  	s7 =	sld [smem:$0x3FAF]  }
0x2d: {  	s3 =	simm.s32 $0x108;
	s8 =	sld [smem:$0x3FB0]  }
0x2e: {  	s3 =	simm.s32 @!p0 $0x1082;
	s9 =	sld [smem:$0x3FB1]  }
0x2f: {  	lr =	sadd.s32 s0, s3;
	s0 =	sld [smem:$0x3FA8]  }
0x30: {  	s3 =	sld [smem:$0x3FAB]  }
0x31: {  	[smem:$0x3FB4] =	sst s10  }
0x32: {  	s10 =	sld [smem:$0x3FB2];
	_ =	sdelay $0x3  }
0x33: {  	p0 =	seq.s32 s10, $0x1;
	s10 =	sld [smem:$0x3FB4];
	_ =	sdelay $0x3  }
0x34: {  	[smem:$0x3FB4] =	sst s10  }
0x35: {  	s10 =	sld [smem:$0x3FB3];
	_ =	sdelay $0x3  }
0x36: {  	p1 =	seq.s32 s10, $0x1;
	s10 =	sld [smem:$0x3FB4];
	_ =	sdelay $0x3  }
0x37: {  	[smem:$0x3FB4] =	sst s10  }
0x38: {  	s10 =	sld [smem:$0x3FB5]  }
0x39: {  	_ = 	snop;
	(pc) =	sbr.ind lr, $3  }
0x3a: {  	_ = 	snop  }
0x3b: {  	_ = 	snop  }
0x3c: {  	p2 =	seq.s32 s10, $0x1;
	s10 =	sld [smem:$0x3FB4]  }
0x3d: {  	_ =	shalt  }
0x3e: {  	_ =	shalt  }
0x3f: {  	_ =	shalt  }
0x40: {  	_ =	shalt  }
0x41: {  	_ =	shalt  }
0x42: {  	_ =	shalt  }
0x43: {  	_ =	shalt  }
0x44: {  	_ =	shalt  }
0x45: {  	_ =	shalt  }
0x46: {  	_ =	shalt  }
0x47: {  	_ =	shalt  }
0x48: {  	_ =	shalt  }
0x49: {  	_ =	shalt  }
0x4a: {  	_ =	shalt  }
0x4b: {  	_ =	shalt  }
0x4c: {  	_ =	shalt  }
0x4d: {  	_ =	shalt  }
0x4e: {  	_ =	shalt  }
0x4f: {  	_ =	shalt  }
0x50: {  	_ =	shalt  }
0x51: {  	_ =	shalt  }
0x52: {  	_ =	shalt  }
0x53: {  	_ =	shalt  }
0x54: {  	_ =	shalt  }
0x55: {  	_ =	shalt  }
0x56: {  	_ =	shalt  }
0x57: {  	_ =	shalt  }
0x58: {  	_ =	shalt  }
0x59: {  	_ =	shalt  }
0x5a: {  	_ =	shalt  }
0x5b: {  	_ =	shalt  }
0x5c: {  	_ =	shalt  }
0x5d: {  	_ =	shalt  }
0x5e: {  	_ =	shalt  }
0x5f: {  	_ =	shalt  }
0x60: {  	_ =	shalt  }
0x61: {  	_ =	shalt  }
0x62: {  	_ =	shalt  }
0x63: {  	_ =	shalt  }
0x64: {  	_ =	shalt  }
0x65: {  	_ =	shalt  }
0x66: {  	_ =	shalt  }
0x67: {  	_ =	shalt  }
0x68: {  	_ =	shalt  }
0x69: {  	_ =	shalt  }
0x6a: {  	_ =	shalt  }
0x6b: {  	_ =	shalt  }
0x6c: {  	_ =	shalt  }
0x6d: {  	_ =	shalt  }
0x6e: {  	_ =	shalt  }
0x6f: {  	_ =	shalt  }
0x70: {  	_ =	shalt  }
0x71: {  	_ =	shalt  }
0x72: {  	_ =	shalt  }
0x73: {  	_ =	shalt  }
0x74: {  	_ =	shalt  }
0x75: {  	_ =	shalt  }
0x76: {  	_ =	shalt  }
0x77: {  	_ =	shalt  }
0x78: {  	_ =	shalt  }
0x79: {  	_ =	shalt  }
0x7a: {  	_ =	shalt  }
0x7b: {  	_ =	shalt  }
0x7c: {  	_ =	shalt  }
0x7d: {  	_ =	shalt  }
0x7e: {  	_ =	shalt  }
0x7f: {  	_ =	shalt  }
0x80: {  	_ =	shalt  }
0x81: {  	_ =	shalt  }
0x82: {  	_ =	shalt  }
0x83: {  	_ =	shalt  }
0x84: {  	_ =	shalt  }
0x85: {  	_ =	shalt  }
0x86: {  	_ =	shalt  }
0x87: {  	_ =	shalt  }
.Lfunc_end0:
.L_simem_size_0:
called_computation_lowered:
.L_overlay_start_0:
0x88: {  	s2 =	sld [smem:$0x3FD9]  }
0x89: {  	s3 =	sld [smem:$0x3FFE];
	_ =	sdelay $0x1  }
0x8a: {  	s1 =	srdreg.scid  }
0x8b: {  	s0 =	sand.u32 $0x1, s1  }
0x8c: {  	s17 =	sshll.u32 s0, $0xA;
	s2 =	sadd.s32 s3, s2  }
0x8d: {  	s2 =	sadd.s32 s2, s17  }
0x8e: {  	[smem:$0x3FC0] =	sst s2  }
0x8f: {  	_ = 	snop  }
0x90: {  	s2 =	sld [smem:$0x3FD0];
	(tm) =	ssettm $0x1  }
0x91: {  	s18 =	sld [smem:$0x3FFB];
	_ =	sdelay $0x3  }
0x92: {  	_ =	strace s18  }
0x93: {  	s3 =	sld [smem:$0x3FFC];
	_ =	sdelay $0x3  }
0x94: {  	_ =	strace s3  }
0x95: {  	s3 =	sld [smem:$0x3FFD];
	_ =	sdelay $0x3  }
0x96: {  	_ =	strace s3  }
0x97: {  	_ =	strace $0x8FFFFFFF  }
0x98: {  	s19 =	sld [smem:$0x3FDB];
	_ =	sdelay $0x1  }
0x99: {  	s4 =	simm.s32 $_scs_section_size  }
0x9a: {  	s5 =	simm.s32 $_size__tile_overlayer_lowered;
	s6 =	simm.s32 $_tile_overlayer_lowered  }
0x9b: {  	s22 =	simm.s32 $0x1BFF;
	s21 =	sshll.u32 s6, $0x1;
	s3 =	sadd.s32 s4, s19  }
0x9c: {  	s7 =	simm.s32 $0x0;
	s20 =	sshll.u32 s5, $0x1;
	s5 =	sadd.s32 s21, s3  }
0x9d: {  	[timem:s7], [sflag:s22] =	dma.local [hbm:s5], s20  }
0x9e: {  	_ =	swait.ge [sflag:s22], s20  }
0x9f: {  	s4 =	ssub.s32 $0x0, s20;
	[sflag:s22] =	ssyncset.done $0x0  }
0xa0: {  	[sflag:s22] =	ssyncadd.s32 s4;
	_ =	sdelay $0x1  }
0xa1: {  	s23 =	simm.s32 $0x1B8B  }
0xa2: {  	_ =	swait.ge [sflag:s23], $0x1  }
0xa3: {  	[sflag:s23] =	ssyncset.done $0x0  }
0xa4: {  	s25 =	simm.s32 $0x1B8E;
	s24 =	sld [smem:$0x3FFE];
	[sflag:s23] =	ssyncadd.s32 $0xFFFFFFFF  }
0xa5: {  	s26 =	simm.s32 $execute0_lowered;
	[smem:$0x3FD2] =	sst s25  }
0xa6: {  	s5 =	sshll.u32 s26, $0x1;
	_ =	strace $0x80000046;
	[dreg:$0x1] =	wrdreg $0xFFFFFFFF  }
0xa7: {  	s28 =	simm.s32 $_size_execute0_lowered;
	s3 =	sadd.s32 s3, s5;
	[dreg:$0x0] =	wrdreg $0x0  }
0xa8: {  	s5 =	sshll.u32 s28, $0x1;
	[dreg:$0x2] =	wrdreg s3  }
0xa9: {  	[dreg:$0x3] =	wrdreg s5  }
0xaa: {  	[dreg:$0x4] =	wrdreg $0xC0  }
0xab: {  	_ =	task [dreg:s7], $0x5FFFF  }
0xac: {  	[dreg:$0x1] =	wrdreg $0xFFFFFFFF  }
0xad: {  	[dreg:$0x0] =	wrdreg $0x60  }
0xae: {  	[dreg:$0x2] =	wrdreg s24  }
0xaf: {  	[dreg:$0x3] =	wrdreg s2  }
0xb0: {  	[dreg:$0x4] =	wrdreg $0x9  }
0xb1: {  	_ =	task.clear_ibuf [dreg:s7], $0x5FFFF;
	_ =	strace $0x90000046  }
0xb2: {  	s29 =	simm.s32 $0x9;
	_ =	strace $0x80000048  }
0xb3: {  	_ =	swait.ge [sflag:s29], $0x1  }
0xb4: {  	[sflag:s29] =	ssyncadd.s32 $0xFFFFFFFF  }
0xb5: {  	_ =	strace $0x90000048  }
0xb6: {  	_ =	sfence  }
0xb7: {  	s30 =	sld [smem:$0x0];
	_ =	sdelay $0x2  }
0xb8: {  	s31 =	sshll.u32 s1, $0xD;
	s1 =	sshrl.u32 s1, $0x2  }
0xb9: {  	s3 =	sand.u32 $0x4000, s31;
	s1 =	sadd.s32 s1, s30  }
0xba: {  	s0 =	sor.u32 s3, s0;
	s1 =	sshll.u32 s1, $0x11  }
0xbb: {  	s0 =	sor.u32 s1, s0  }
0xbc: {  	s0 =	sadd.s32 $0x8F2B, s0  }
0xbd: {  	[sflag:s0] =	ssyncadd.remote.s32 $0x1  }
0xbe: {  	_ =	sfence.sel $0xFFFF  }
0xbf: {  	[dreg:$0x0] =	wrdreg $0xFFFFFFFF;
	(pc) =	sbr.abs _section_cstart, $3  }
0xc0: {  	[dreg:$0x1] =	wrdreg $0xFFFFFFFF  }
0xc1: {  	_ =	task.clear_ibuf [dreg:s7], $0x2FFFF;
	_ =	strace $0x9FFFFFFF  }
0xc2: {  	(tm) =	ssettm $0x7FFFFFFF  }
0xc3: {  	_ =	shalt  }
tec
execute0_lowered:
.L_overlay_start_1:
0x0: {  	(tag) =	ssettag $0x1  }
0x1: {  	s1 =	srdreg.scid;
	s0 =	stileid.u32  }
0x2: {  	s23 =	sand.u32 $0x1, s1;
	s26 =	sshll.u32 s0, $0x1  }
0x3: {  	s9 =	rddreg [dreg:$0x0];
	s10 =	sor.u32 s23, s26  }
0x4: {  	s22 =	rddreg [dreg:$0x1];
	s24 =	smul.u32 $0x1500, s10  }
0x5: {  	s2 =	simm.s32 $0x0;
	s1 =	rddreg [dreg:$0x2]  }
0x6: {  	[smem:$0x7FF] =	sst s2;
	s3 =	sshrl.u32 s24, $0x3  }
0x7: {  	_ =	strace $0x80000047;
	s4 =	sadd.s32 s22, s3;
	s3 =	simm.s32 $0x2  }
0x8: {  	[tilespmem:s2], [sflag:$0x2] =	stream.linear.gather [hbm4b:s4+s2], $0x2A0, $0x38;
	[tilespmem:$0x15300] =	vst v63  }
0x9: {  	_ =	swait.ge [sflag:s3], $0x2A0  }
0xa: {  	s6 =	simm.s32 $0x2A0;
	s7 =	simm.s32 $0x300;
	[sflag:s3] =	ssyncset.done $0x0  }
0xb: {  	s8 =	simm.s32 $0x1;
	s5 =	sadd.s32 $0x1000, s9;
	[sflag:s3] =	ssyncadd.s32 $0xFFFFFD60  }
0xc: {  	[tilespmem:s7], [sflag:$0x1] =	stream.indirect.gather [hbm4b:s5+s6], $0x80, s2, s6, $0xb8;
	[tilespmem:$0x15300] =	vst v63  }
0xd: {  	s10 =	smul.u32 $0x15000, s10;
	_ =	swait.ge [sflag:s8], $0x15000  }
0xe: {  	s25 =	sadd.s32 $0x1600, s9;
	[sflag:s8] =	ssyncset.done $0x0  }
0xf: {  	s9 =	sadd.s32 s25, s10;
	[sflag:s8] =	ssyncadd.s32 $0xFFFEB000  }
0x10: {  	[hbm4b:s9+s2] =	stream.linear.scatter [tilespmem:s7], [sflag:$0x2], $0x15000, $0x38;
	[tilespmem:$0x15300] =	vst v63  }
0x11: {  	s11 =	sadd.s32 $0x2A0, s24;
	_ =	swait.ge [sflag:s3], $0x15000  }
0x12: {  	s28 =	sshrl.u32 s11, $0x3;
	[sflag:s3] =	ssyncset.done $0x0  }
0x13: {  	s10 =	sadd.s32 s22, s28;
	[sflag:s3] =	ssyncadd.s32 $0xFFFEB000  }
0x14: {  	[tilespmem:s2], [sflag:$0x2] =	stream.linear.gather [hbm4b:s10+s2], $0x2A0, $0x38;
	[tilespmem:$0x15300] =	vst v63  }
0x15: {  	_ =	swait.ge [sflag:s3], $0x2A0  }
0x16: {  	[sflag:s3] =	ssyncset.done $0x0  }
0x17: {  	[sflag:s3] =	ssyncadd.s32 $0xFFFFFD60  }
0x18: {  	[tilespmem:s7], [sflag:$0x1] =	stream.indirect.gather [hbm4b:s5+s6], $0x80, s2, s6, $0xb8;
	[tilespmem:$0x15300] =	vst v63  }
0x19: {  	_ =	swait.ge [sflag:s8], $0x15000  }
0x1a: {  	s11 =	sshll.u32 s11, $0x4;
	[sflag:s8] =	ssyncset.done $0x0  }
0x1b: {  	s11 =	sadd.s32 s25, s11;
	[sflag:s8] =	ssyncadd.s32 $0xFFFEB000  }
0x1c: {  	[hbm4b:s11+s2] =	stream.linear.scatter [tilespmem:s7], [sflag:$0x2], $0x15000, $0x38;
	[tilespmem:$0x15300] =	vst v63  }
0x1d: {  	s13 =	sadd.s32 $0x540, s24;
	_ =	swait.ge [sflag:s3], $0x15000  }
0x1e: {  	s12 =	sshrl.u32 s13, $0x3;
	[sflag:s3] =	ssyncset.done $0x0  }
0x1f: {  	s12 =	sadd.s32 s22, s12;
	[sflag:s3] =	ssyncadd.s32 $0xFFFEB000  }
0x20: {  	[tilespmem:s2], [sflag:$0x2] =	stream.linear.gather [hbm4b:s12+s2], $0x2A0, $0x38;
	[tilespmem:$0x15300] =	vst v63  }
0x21: {  	_ =	swait.ge [sflag:s3], $0x2A0  }
0x22: {  	[sflag:s3] =	ssyncset.done $0x0  }
0x23: {  	[sflag:s3] =	ssyncadd.s32 $0xFFFFFD60  }
0x24: {  	[tilespmem:s7], [sflag:$0x1] =	stream.indirect.gather [hbm4b:s5+s6], $0x80, s2, s6, $0xb8;
	[tilespmem:$0x15300] =	vst v63  }
0x25: {  	_ =	swait.ge [sflag:s8], $0x15000  }
0x26: {  	s13 =	sshll.u32 s13, $0x4;
	[sflag:s8] =	ssyncset.done $0x0  }
0x27: {  	s13 =	sadd.s32 s25, s13;
	[sflag:s8] =	ssyncadd.s32 $0xFFFEB000  }
0x28: {  	[hbm4b:s13+s2] =	stream.linear.scatter [tilespmem:s7], [sflag:$0x2], $0x15000, $0x38;
	[tilespmem:$0x15300] =	vst v63  }
0x29: {  	s15 =	sadd.s32 $0x7E0, s24;
	_ =	swait.ge [sflag:s3], $0x15000  }
0x2a: {  	s14 =	sshrl.u32 s15, $0x3;
	[sflag:s3] =	ssyncset.done $0x0  }
0x2b: {  	s14 =	sadd.s32 s22, s14;
	[sflag:s3] =	ssyncadd.s32 $0xFFFEB000  }
0x2c: {  	[tilespmem:s2], [sflag:$0x2] =	stream.linear.gather [hbm4b:s14+s2], $0x2A0, $0x38;
	[tilespmem:$0x15300] =	vst v63  }
0x2d: {  	_ =	swait.ge [sflag:s3], $0x2A0  }
0x2e: {  	[sflag:s3] =	ssyncset.done $0x0  }
0x2f: {  	[sflag:s3] =	ssyncadd.s32 $0xFFFFFD60  }
0x30: {  	[tilespmem:s7], [sflag:$0x1] =	stream.indirect.gather [hbm4b:s5+s6], $0x80, s2, s6, $0xb8;
	[tilespmem:$0x15300] =	vst v63  }
0x31: {  	_ =	swait.ge [sflag:s8], $0x15000  }
0x32: {  	s15 =	sshll.u32 s15, $0x4;
	[sflag:s8] =	ssyncset.done $0x0  }
0x33: {  	s15 =	sadd.s32 s25, s15;
	[sflag:s8] =	ssyncadd.s32 $0xFFFEB000  }
0x34: {  	[hbm4b:s15+s2] =	stream.linear.scatter [tilespmem:s7], [sflag:$0x2], $0x15000, $0x38;
	[tilespmem:$0x15300] =	vst v63  }
0x35: {  	s17 =	sadd.s32 $0xA80, s24;
	_ =	swait.ge [sflag:s3], $0x15000  }
0x36: {  	s16 =	sshrl.u32 s17, $0x3;
	[sflag:s3] =	ssyncset.done $0x0  }
0x37: {  	s16 =	sadd.s32 s22, s16;
	[sflag:s3] =	ssyncadd.s32 $0xFFFEB000  }
0x38: {  	[tilespmem:s2], [sflag:$0x2] =	stream.linear.gather [hbm4b:s16+s2], $0x2A0, $0x38;
	[tilespmem:$0x15300] =	vst v63  }
0x39: {  	_ =	swait.ge [sflag:s3], $0x2A0  }
0x3a: {  	[sflag:s3] =	ssyncset.done $0x0  }
0x3b: {  	[sflag:s3] =	ssyncadd.s32 $0xFFFFFD60  }
0x3c: {  	[tilespmem:s7], [sflag:$0x1] =	stream.indirect.gather [hbm4b:s5+s6], $0x80, s2, s6, $0xb8;
	[tilespmem:$0x15300] =	vst v63  }
0x3d: {  	_ =	swait.ge [sflag:s8], $0x15000  }
0x3e: {  	s17 =	sshll.u32 s17, $0x4;
	[sflag:s8] =	ssyncset.done $0x0  }
0x3f: {  	s17 =	sadd.s32 s25, s17;
	[sflag:s8] =	ssyncadd.s32 $0xFFFEB000  }
0x40: {  	[hbm4b:s17+s2] =	stream.linear.scatter [tilespmem:s7], [sflag:$0x2], $0x15000, $0x38;
	[tilespmem:$0x15300] =	vst v63  }
0x41: {  	s19 =	sadd.s32 $0xD20, s24;
	_ =	swait.ge [sflag:s3], $0x15000  }
0x42: {  	s18 =	sshrl.u32 s19, $0x3;
	[sflag:s3] =	ssyncset.done $0x0  }
0x43: {  	s18 =	sadd.s32 s22, s18;
	[sflag:s3] =	ssyncadd.s32 $0xFFFEB000  }
0x44: {  	[tilespmem:s2], [sflag:$0x2] =	stream.linear.gather [hbm4b:s18+s2], $0x2A0, $0x38;
	[tilespmem:$0x15300] =	vst v63  }
0x45: {  	_ =	swait.ge [sflag:s3], $0x2A0  }
0x46: {  	[sflag:s3] =	ssyncset.done $0x0  }
0x47: {  	[sflag:s3] =	ssyncadd.s32 $0xFFFFFD60  }
0x48: {  	[tilespmem:s7], [sflag:$0x1] =	stream.indirect.gather [hbm4b:s5+s6], $0x80, s2, s6, $0xb8;
	[tilespmem:$0x15300] =	vst v63  }
0x49: {  	_ =	swait.ge [sflag:s8], $0x15000  }
0x4a: {  	s19 =	sshll.u32 s19, $0x4;
	[sflag:s8] =	ssyncset.done $0x0  }
0x4b: {  	s19 =	sadd.s32 s25, s19;
	[sflag:s8] =	ssyncadd.s32 $0xFFFEB000  }
0x4c: {  	[hbm4b:s19+s2] =	stream.linear.scatter [tilespmem:s7], [sflag:$0x2], $0x15000, $0x38;
	[tilespmem:$0x15300] =	vst v63  }
0x4d: {  	s21 =	sadd.s32 $0xFC0, s24;
	_ =	swait.ge [sflag:s3], $0x15000  }
0x4e: {  	s20 =	sshrl.u32 s21, $0x3;
	[sflag:s3] =	ssyncset.done $0x0  }
0x4f: {  	s20 =	sadd.s32 s22, s20;
	[sflag:s3] =	ssyncadd.s32 $0xFFFEB000  }
0x50: {  	[tilespmem:s2], [sflag:$0x2] =	stream.linear.gather [hbm4b:s20+s2], $0x2A0, $0x38;
	[tilespmem:$0x15300] =	vst v63  }
0x51: {  	_ =	swait.ge [sflag:s3], $0x2A0  }
0x52: {  	[sflag:s3] =	ssyncset.done $0x0  }
0x53: {  	[sflag:s3] =	ssyncadd.s32 $0xFFFFFD60  }
0x54: {  	[tilespmem:s7], [sflag:$0x1] =	stream.indirect.gather [hbm4b:s5+s6], $0x80, s2, s6, $0xb8;
	[tilespmem:$0x15300] =	vst v63  }
0x55: {  	_ =	swait.ge [sflag:s8], $0x15000  }
0x56: {  	s21 =	sshll.u32 s21, $0x4;
	[sflag:s8] =	ssyncset.done $0x0  }
0x57: {  	s21 =	sadd.s32 s25, s21;
	[sflag:s8] =	ssyncadd.s32 $0xFFFEB000  }
0x58: {  	[hbm4b:s21+s2] =	stream.linear.scatter [tilespmem:s7], [sflag:$0x2], $0x15000, $0x38;
	[tilespmem:$0x15300] =	vst v63  }
0x59: {  	s24 =	sadd.s32 $0x1260, s24;
	_ =	swait.ge [sflag:s3], $0x15000  }
0x5a: {  	s26 =	sshrl.u32 s24, $0x3;
	[sflag:s3] =	ssyncset.done $0x0  }
0x5b: {  	s23 =	ssub.s32 $0x2, s23;
	s22 =	sadd.s32 s22, s26;
	[sflag:s3] =	ssyncadd.s32 $0xFFFEB000  }
0x5c: {  	[tilespmem:s2], [sflag:$0x2] =	stream.linear.gather [hbm4b:s22+s2], $0x2A0, $0x38;
	[tilespmem:$0x15300] =	vst v63  }
0x5d: {  	s29 =	sshrl.u32 s23, $0x1;
	_ =	swait.ge [sflag:s3], $0x2A0  }
0x5e: {  	s26 =	ssub.s32 s23, s29;
	[sflag:s3] =	ssyncset.done $0x0  }
0x5f: {  	s31 =	smax.u32 s26, $0x1;
	[sflag:s3] =	ssyncadd.s32 $0xFFFFFD60  }
0x60: {  	[tilespmem:s7], [sflag:$0x1] =	stream.indirect.gather [hbm4b:s5+s6], $0x80, s2, s6, $0xb8;
	[tilespmem:$0x15300] =	vst v63  }
0x61: {  	p0 =	sne.s32 s31, $0x1;
	_ =	swait.ge [sflag:s8], $0x15000  }
.Ltmp0:
0x62: {  	s30 =	sshll.u32 s24, $0x4;
	[sflag:s8] =	ssyncset.done $0x0;
	(pc) =	sbr.rel @!p0 .LBB2_2-.Ltmp0, $4  }
0x63: {  	s23 =	sadd.s32 s25, s30;
	[sflag:s8] =	ssyncadd.s32 $0xFFFEB000  }
0x64: {  	[hbm4b:s23+s2] =	stream.linear.scatter [tilespmem:s7], [sflag:$0x2], $0x15000, $0x38;
	[tilespmem:$0x15300] =	vst v63  }
0x65: {  	_ =	swait.ge [sflag:s3], $0x15000  }
0x66: {  	s24 =	sadd.s32 $0xFFFFFFFF, s31;
	[sflag:s3] =	ssyncset.done $0x0  }
.LBB2_1:
0x67: {  	p0 =	sne.s32 s24, $0x1;
	s24 =	sadd.s32 $0xFFFFFFFF, s24;
	[sflag:s3] =	ssyncadd.s32 $0xFFFEB000  }
0x68: {  	[tilespmem:s2], [sflag:$0x2] =	stream.linear.gather [hbm4b:s4+s2], $0x2A0, $0x38;
	[tilespmem:$0x15300] =	vst v63  }
0x69: {  	_ =	swait.ge [sflag:s3], $0x2A0  }
0x6a: {  	[sflag:s3] =	ssyncset.done $0x0  }
0x6b: {  	[sflag:s3] =	ssyncadd.s32 $0xFFFFFD60  }
0x6c: {  	[tilespmem:s7], [sflag:$0x1] =	stream.indirect.gather [hbm4b:s5+s6], $0x80, s2, s6, $0xb8;
	[tilespmem:$0x15300] =	vst v63  }
0x6d: {  	_ =	swait.ge [sflag:s8], $0x15000  }
0x6e: {  	[sflag:s8] =	ssyncset.done $0x0  }
0x6f: {  	[sflag:s8] =	ssyncadd.s32 $0xFFFEB000  }
0x70: {  	[hbm4b:s9+s2] =	stream.linear.scatter [tilespmem:s7], [sflag:$0x2], $0x15000, $0x38;
	[tilespmem:$0x15300] =	vst v63  }
0x71: {  	_ =	swait.ge [sflag:s3], $0x15000  }
0x72: {  	[sflag:s3] =	ssyncset.done $0x0  }
0x73: {  	[sflag:s3] =	ssyncadd.s32 $0xFFFEB000  }
0x74: {  	[tilespmem:s2], [sflag:$0x2] =	stream.linear.gather [hbm4b:s10+s2], $0x2A0, $0x38;
	[tilespmem:$0x15300] =	vst v63  }
0x75: {  	_ =	swait.ge [sflag:s3], $0x2A0  }
0x76: {  	[sflag:s3] =	ssyncset.done $0x0  }
0x77: {  	[sflag:s3] =	ssyncadd.s32 $0xFFFFFD60  }
0x78: {  	[tilespmem:s7], [sflag:$0x1] =	stream.indirect.gather [hbm4b:s5+s6], $0x80, s2, s6, $0xb8;
	[tilespmem:$0x15300] =	vst v63  }
0x79: {  	_ =	swait.ge [sflag:s8], $0x15000  }
0x7a: {  	[sflag:s8] =	ssyncset.done $0x0  }
0x7b: {  	[sflag:s8] =	ssyncadd.s32 $0xFFFEB000  }
0x7c: {  	[hbm4b:s11+s2] =	stream.linear.scatter [tilespmem:s7], [sflag:$0x2], $0x15000, $0x38;
	[tilespmem:$0x15300] =	vst v63  }
0x7d: {  	_ =	swait.ge [sflag:s3], $0x15000  }
0x7e: {  	[sflag:s3] =	ssyncset.done $0x0  }
0x7f: {  	[sflag:s3] =	ssyncadd.s32 $0xFFFEB000  }
0x80: {  	[tilespmem:s2], [sflag:$0x2] =	stream.linear.gather [hbm4b:s12+s2], $0x2A0, $0x38;
	[tilespmem:$0x15300] =	vst v63  }
0x81: {  	_ =	swait.ge [sflag:s3], $0x2A0  }
0x82: {  	[sflag:s3] =	ssyncset.done $0x0  }
0x83: {  	[sflag:s3] =	ssyncadd.s32 $0xFFFFFD60  }
0x84: {  	[tilespmem:s7], [sflag:$0x1] =	stream.indirect.gather [hbm4b:s5+s6], $0x80, s2, s6, $0xb8;
	[tilespmem:$0x15300] =	vst v63  }
0x85: {  	_ =	swait.ge [sflag:s8], $0x15000  }
0x86: {  	[sflag:s8] =	ssyncset.done $0x0  }
0x87: {  	[sflag:s8] =	ssyncadd.s32 $0xFFFEB000  }
0x88: {  	[hbm4b:s13+s2] =	stream.linear.scatter [tilespmem:s7], [sflag:$0x2], $0x15000, $0x38;
	[tilespmem:$0x15300] =	vst v63  }
0x89: {  	_ =	swait.ge [sflag:s3], $0x15000  }
0x8a: {  	[sflag:s3] =	ssyncset.done $0x0  }
0x8b: {  	[sflag:s3] =	ssyncadd.s32 $0xFFFEB000  }
0x8c: {  	[tilespmem:s2], [sflag:$0x2] =	stream.linear.gather [hbm4b:s14+s2], $0x2A0, $0x38;
	[tilespmem:$0x15300] =	vst v63  }
0x8d: {  	_ =	swait.ge [sflag:s3], $0x2A0  }
0x8e: {  	[sflag:s3] =	ssyncset.done $0x0  }
0x8f: {  	[sflag:s3] =	ssyncadd.s32 $0xFFFFFD60  }
0x90: {  	[tilespmem:s7], [sflag:$0x1] =	stream.indirect.gather [hbm4b:s5+s6], $0x80, s2, s6, $0xb8;
	[tilespmem:$0x15300] =	vst v63  }
0x91: {  	_ =	swait.ge [sflag:s8], $0x15000  }
0x92: {  	[sflag:s8] =	ssyncset.done $0x0  }
0x93: {  	[sflag:s8] =	ssyncadd.s32 $0xFFFEB000  }
0x94: {  	[hbm4b:s15+s2] =	stream.linear.scatter [tilespmem:s7], [sflag:$0x2], $0x15000, $0x38;
	[tilespmem:$0x15300] =	vst v63  }
0x95: {  	_ =	swait.ge [sflag:s3], $0x15000  }
0x96: {  	[sflag:s3] =	ssyncset.done $0x0  }
0x97: {  	[sflag:s3] =	ssyncadd.s32 $0xFFFEB000  }
0x98: {  	[tilespmem:s2], [sflag:$0x2] =	stream.linear.gather [hbm4b:s16+s2], $0x2A0, $0x38;
	[tilespmem:$0x15300] =	vst v63  }
0x99: {  	_ =	swait.ge [sflag:s3], $0x2A0  }
0x9a: {  	[sflag:s3] =	ssyncset.done $0x0  }
0x9b: {  	[sflag:s3] =	ssyncadd.s32 $0xFFFFFD60  }
0x9c: {  	[tilespmem:s7], [sflag:$0x1] =	stream.indirect.gather [hbm4b:s5+s6], $0x80, s2, s6, $0xb8;
	[tilespmem:$0x15300] =	vst v63  }
0x9d: {  	_ =	swait.ge [sflag:s8], $0x15000  }
0x9e: {  	[sflag:s8] =	ssyncset.done $0x0  }
0x9f: {  	[sflag:s8] =	ssyncadd.s32 $0xFFFEB000  }
0xa0: {  	[hbm4b:s17+s2] =	stream.linear.scatter [tilespmem:s7], [sflag:$0x2], $0x15000, $0x38;
	[tilespmem:$0x15300] =	vst v63  }
0xa1: {  	_ =	swait.ge [sflag:s3], $0x15000  }
0xa2: {  	[sflag:s3] =	ssyncset.done $0x0  }
0xa3: {  	[sflag:s3] =	ssyncadd.s32 $0xFFFEB000  }
0xa4: {  	[tilespmem:s2], [sflag:$0x2] =	stream.linear.gather [hbm4b:s18+s2], $0x2A0, $0x38;
	[tilespmem:$0x15300] =	vst v63  }
0xa5: {  	_ =	swait.ge [sflag:s3], $0x2A0  }
0xa6: {  	[sflag:s3] =	ssyncset.done $0x0  }
0xa7: {  	[sflag:s3] =	ssyncadd.s32 $0xFFFFFD60  }
0xa8: {  	[tilespmem:s7], [sflag:$0x1] =	stream.indirect.gather [hbm4b:s5+s6], $0x80, s2, s6, $0xb8;
	[tilespmem:$0x15300] =	vst v63  }
0xa9: {  	_ =	swait.ge [sflag:s8], $0x15000  }
0xaa: {  	[sflag:s8] =	ssyncset.done $0x0  }
0xab: {  	[sflag:s8] =	ssyncadd.s32 $0xFFFEB000  }
0xac: {  	[hbm4b:s19+s2] =	stream.linear.scatter [tilespmem:s7], [sflag:$0x2], $0x15000, $0x38;
	[tilespmem:$0x15300] =	vst v63  }
0xad: {  	_ =	swait.ge [sflag:s3], $0x15000  }
0xae: {  	[sflag:s3] =	ssyncset.done $0x0  }
0xaf: {  	[sflag:s3] =	ssyncadd.s32 $0xFFFEB000  }
0xb0: {  	[tilespmem:s2], [sflag:$0x2] =	stream.linear.gather [hbm4b:s20+s2], $0x2A0, $0x38;
	[tilespmem:$0x15300] =	vst v63  }
0xb1: {  	_ =	swait.ge [sflag:s3], $0x2A0  }
0xb2: {  	[sflag:s3] =	ssyncset.done $0x0  }
0xb3: {  	[sflag:s3] =	ssyncadd.s32 $0xFFFFFD60  }
0xb4: {  	[tilespmem:s7], [sflag:$0x1] =	stream.indirect.gather [hbm4b:s5+s6], $0x80, s2, s6, $0xb8;
	[tilespmem:$0x15300] =	vst v63  }
0xb5: {  	_ =	swait.ge [sflag:s8], $0x15000  }
0xb6: {  	[sflag:s8] =	ssyncset.done $0x0  }
0xb7: {  	[sflag:s8] =	ssyncadd.s32 $0xFFFEB000  }
0xb8: {  	[hbm4b:s21+s2] =	stream.linear.scatter [tilespmem:s7], [sflag:$0x2], $0x15000, $0x38;
	[tilespmem:$0x15300] =	vst v63  }
0xb9: {  	_ =	swait.ge [sflag:s3], $0x15000  }
0xba: {  	[sflag:s3] =	ssyncset.done $0x0  }
0xbb: {  	[sflag:s3] =	ssyncadd.s32 $0xFFFEB000  }
0xbc: {  	[tilespmem:s2], [sflag:$0x2] =	stream.linear.gather [hbm4b:s22+s2], $0x2A0, $0x38;
	[tilespmem:$0x15300] =	vst v63  }
0xbd: {  	_ =	swait.ge [sflag:s3], $0x2A0  }
0xbe: {  	[sflag:s3] =	ssyncset.done $0x0  }
0xbf: {  	[sflag:s3] =	ssyncadd.s32 $0xFFFFFD60  }
0xc0: {  	[tilespmem:s7], [sflag:$0x1] =	stream.indirect.gather [hbm4b:s5+s6], $0x80, s2, s6, $0xb8;
	[tilespmem:$0x15300] =	vst v63  }
0xc1: {  	_ =	swait.ge [sflag:s8], $0x15000  }
.Ltmp1:
0xc2: {  	[sflag:s8] =	ssyncset.done $0x0;
	(pc) =	sbr.rel @p0 .LBB2_1-.Ltmp1, $4  }
0xc3: {  	[sflag:s8] =	ssyncadd.s32 $0xFFFEB000  }
0xc4: {  	[hbm4b:s23+s2] =	stream.linear.scatter [tilespmem:s7], [sflag:$0x2], $0x15000, $0x38;
	[tilespmem:$0x15300] =	vst v63  }
0xc5: {  	_ =	swait.ge [sflag:s3], $0x15000  }
0xc6: {  	[sflag:s3] =	ssyncset.done $0x0  }
.LBB2_2:
0xc7: {  	[sflag:s3] =	ssyncadd.s32 $0xFFFEB000  }
0xc8: {  	_ =	sfence.sel $0x180000  }
0xc9: {  	[bflag:$0x0] =	sbarrier.arrive $0xFFFF  }
0xca: {  	p0 =	sne.s32 s0, $0x0;
	_ =	strace $0x90000047  }
0xcb: {  	s0 =	sadd.s32 @!p0 $0x100000, s1;
	[bflag:$0x2] =	sbarrier.arrive $0xFFFF  }
0xcc: {  	[sflag:s0] =	ssyncadd.tile.s32 @!p0 $0x1;
	_ =	shalt  }
.Lfunc_end2:
_tile_overlayer_lowered:
.L_overlay_start_2:
0xcd: {  	(tag) =	ssettag $0x2  }
0xce: {  	s0 =	rddreg [dreg:$0x0];
	s2 =	stileid.u32  }
0xcf: {  	s1 =	rddreg [dreg:$0x1];
	p0 =	sne.s32 s2, $0x0  }
0xd0: {  	s3 =	rddreg [dreg:$0x2];
	[bflag:$0x3] =	sbarrier.arrive $0xFFFF;
	s2 =	simm.s32 @!p0 $0x1C02  }
0xd1: {  	[timem:s3], [sflag:s2] =	dma.local @!p0 [hbm:s0], s1  }
0xd2: {  	s0 =	simm.s32 @!p0 $0x2  }
0xd3: {  	_ =	swait.ge @!p0 [sflag:s0], s1  }
0xd4: {  	s1 =	ssub.s32 @!p0 $0x0, s1;
	[sflag:s0] =	ssyncset.done @!p0 $0x0  }
0xd5: {  	[sflag:s0] =	ssyncadd.s32 @!p0 s1  }
0xd6: {  	[bflag:$0x3] =	sbarrier.arrive $0xFFFF  }
0xd7: {  	_ =	shalt  }

</sc_bundles>
